<compile_context>
chip_gen: v7x
topology: tpu7x:2x2x1
jax: 0.10.2.dev20260603
libtpu: 0.0.44.dev20260713+nightly
codegen_flags: <defaults>
</compile_context>

<pallas_src>
import functools

import jax
import jax.numpy as jnp
from jax import lax
from jax.experimental import pallas as pl
from jax.experimental.pallas import tpu as pltpu
from jax.experimental.pallas import tpu_sc as plsc

TOPK = 4
NEG = -1e30


def _simt_body(x_ref, keys_ref, hasher_ref, simt_ref):
    ht = lax.dot_general(hasher_ref[...], x_ref[...],
                         (((1,), (1,)), ((), ())),
                         preferred_element_type=jnp.float32)
    simt_ref[...] = jnp.dot(keys_ref[...], ht,
                            preferred_element_type=jnp.float32)


def _compute_simt(x2, keys, hasher_w):
    t, d = x2.shape
    p, pd = keys.shape
    return pl.pallas_call(
        _simt_body,
        grid=(1,),
        in_specs=[
            pl.BlockSpec((t, d), lambda i: (0, 0)),
            pl.BlockSpec((p, pd), lambda i: (0, 0)),
            pl.BlockSpec((pd, d), lambda i: (0, 0)),
        ],
        out_specs=pl.BlockSpec((p, t), lambda i: (0, 0)),
        out_shape=jax.ShapeDtypeStruct((p, t), jnp.float32),
    )(x2, keys, hasher_w)


def _topk_stats_sc(simt):
    p, t = simt.shape
    lanes = 16
    slab_w = 128
    n_slabs = t // slab_w
    n_cg = slab_w // lanes

    mesh = plsc.VectorSubcoreMesh(core_axis_name="c", subcore_axis_name="s")

    @functools.partial(
        pl.kernel,
        mesh=mesh,
        out_type=[
            jax.ShapeDtypeStruct((t,), jnp.float32),
            jax.ShapeDtypeStruct((t,), jnp.float32),
            jax.ShapeDtypeStruct((t,), jnp.float32),
        ],
        scratch_types=[
            pltpu.VMEM((p, slab_w), jnp.float32),
            pltpu.VMEM((slab_w,), jnp.float32),
            pltpu.VMEM((slab_w,), jnp.float32),
            pltpu.VMEM((slab_w,), jnp.float32),
        ],
    )
    def topk_kernel(simt_hbm, m1_hbm, m4_hbm, z_hbm, slab_v, o1_v, o4_v, oz_v):
        wid = lax.axis_index("s") * 2 + lax.axis_index("c")

        @pl.when(wid < n_slabs)
        def _work():
            base = wid * slab_w
            pltpu.sync_copy(simt_hbm.at[:, pl.ds(base, slab_w)], slab_v)

            neg = jnp.full((lanes,), NEG, jnp.float32)

            def insert(carry_cg, row):
                m1, m2, m3, m4 = carry_cg
                a1 = jnp.maximum(m1, row)
                r2 = jnp.minimum(m1, row)
                a2 = jnp.maximum(m2, r2)
                r3 = jnp.minimum(m2, r2)
                a3 = jnp.maximum(m3, r3)
                r4 = jnp.minimum(m3, r3)
                a4 = jnp.maximum(m4, r4)
                return (a1, a2, a3, a4)

            def body(i, carry):
                out = []
                r = i * 2
                for cg in range(n_cg):
                    c = insert(carry[cg], slab_v[r, pl.ds(cg * lanes, lanes)])
                    c = insert(c, slab_v[r + 1, pl.ds(cg * lanes, lanes)])
                    out.append(c)
                return tuple(out)

            init = tuple((neg, neg, neg, neg) for _ in range(n_cg))
            stats = lax.fori_loop(0, p // 2, body, init)
            for cg in range(n_cg):
                m1, m2, m3, m4 = stats[cg]
                z = (1.0 + jnp.exp(m2 - m1) + jnp.exp(m3 - m1)
                     + jnp.exp(m4 - m1))
                sl = pl.ds(cg * lanes, lanes)
                o1_v[sl] = m1
                o4_v[sl] = m4
                oz_v[sl] = z
            pltpu.sync_copy(o1_v, m1_hbm.at[pl.ds(base, slab_w)])
            pltpu.sync_copy(o4_v, m4_hbm.at[pl.ds(base, slab_w)])
            pltpu.sync_copy(oz_v, z_hbm.at[pl.ds(base, slab_w)])

    return topk_kernel(simt)


def _moe_body(x_ref, keys_ref, vdt_ref, vur_ref, hasher_ref, m1_ref, m4_ref,
              z_ref, scale_ref, out_ref, g3_s, *, n_eblk, pd):
    e = pl.program_id(1)
    e_blk = g3_s.shape[2]

    @pl.when(e == 0)
    def _gates():
        h = lax.dot_general(x_ref[...], hasher_ref[...],
                            (((1,), (1,)), ((), ())),
                            preferred_element_type=jnp.float32)
        sim = lax.dot_general(h, keys_ref[...],
                              (((1,), (1,)), ((), ())),
                              preferred_element_type=jnp.float32)
        g = jnp.where(sim >= m4_ref[...],
                      jnp.exp(sim - m1_ref[...]) / z_ref[...],
                      0.0)
        for eb in range(n_eblk):
            g3_s[eb] = g[:, eb * e_blk:(eb + 1) * e_blk]

    row = lax.broadcasted_iota(jnp.int32, (e_blk, e_blk * pd), 0)
    col = lax.broadcasted_iota(jnp.int32, (e_blk, e_blk * pd), 1)
    expand = (row == col // pd).astype(jnp.float32)
    g_exp = jnp.dot(g3_s[e], expand, preferred_element_type=jnp.float32)

    hidden = jnp.dot(x_ref[...], vdt_ref[...],
                     preferred_element_type=jnp.float32)
    act = hidden * (1.0 / (1.0 + jnp.exp(-hidden)))
    contrib = jnp.dot(g_exp * act, vur_ref[...],
                      preferred_element_type=jnp.float32)
    scale = scale_ref[0, 0]

    @pl.when(e == 0)
    def _init():
        out_ref[...] = x_ref[...] + scale * contrib

    @pl.when(e != 0)
    def _acc():
        out_ref[...] += scale * contrib


def kernel(x, keys, values_down, values_up, hasher_w, scale):
    b, t, d = x.shape
    p, pd = keys.shape
    x2 = x.reshape(t, d)
    vdt = values_down.transpose(1, 0, 2).reshape(d, p * pd)
    vur = values_up.reshape(p * pd, d)
    scale_arr = jnp.reshape(scale, (1, 1))

    simt = _compute_simt(x2, keys, hasher_w)
    m1, m4, z = _topk_stats_sc(simt)
    m1c = m1.reshape(t, 1)
    m4c = m4.reshape(t, 1)
    zc = z.reshape(t, 1)

    n_eblk = 8
    e_blk = p // n_eblk
    t_blk = min(1024, t)
    n_tblk = t // t_blk

    grid = (n_tblk, n_eblk)
    out = pl.pallas_call(
        functools.partial(_moe_body, n_eblk=n_eblk, pd=pd),
        grid=grid,
        in_specs=[
            pl.BlockSpec((t_blk, d), lambda ti, ei: (ti, 0)),
            pl.BlockSpec((p, pd), lambda ti, ei: (0, 0)),
            pl.BlockSpec((d, e_blk * pd), lambda ti, ei: (0, ei)),
            pl.BlockSpec((e_blk * pd, d), lambda ti, ei: (ei, 0)),
            pl.BlockSpec((pd, d), lambda ti, ei: (0, 0)),
            pl.BlockSpec((t_blk, 1), lambda ti, ei: (ti, 0)),
            pl.BlockSpec((t_blk, 1), lambda ti, ei: (ti, 0)),
            pl.BlockSpec((t_blk, 1), lambda ti, ei: (ti, 0)),
            pl.BlockSpec(memory_space=pltpu.SMEM),
        ],
        out_specs=pl.BlockSpec((t_blk, d), lambda ti, ei: (ti, 0)),
        out_shape=jax.ShapeDtypeStruct((t, d), jnp.float32),
        scratch_shapes=[
            pltpu.VMEM((n_eblk, t_blk, e_blk), jnp.float32),
        ],
    )(x2, keys, vdt, vur, hasher_w, m1c, m4c, zc, scale_arr)
    return out.reshape(b, t, d)

# --- scband reference (transcript-rebuilt; emitter-appended) ---
"""Pipeline reference for scband-program-layer-27676769255907 (READ-ONLY COPY).

The authoritative reference and input builder live on the scoring server;
editing this copy changes nothing except your own understanding.
"""

import jax, jax.numpy as jnp
import numpy as np

TOP_K = 4
B, T, D = 1, 2048, 768
P, PD = 256, 32


def setup_inputs(seed: int = 0) -> dict:
    key = jax.random.key(seed)
    ks = jax.random.split(key, 6)
    x = jax.random.normal(ks[0], (B, T, D), dtype=jnp.float32)
    keys_p = jax.random.normal(ks[1], (P, PD), dtype=jnp.float32) * 0.1
    values_down = jax.random.normal(ks[2], (P, D, PD), dtype=jnp.float32) * 0.01
    values_up = jax.random.normal(ks[3], (P, PD, D), dtype=jnp.float32) * 0.01
    hasher_w = jax.random.normal(ks[4], (PD, D), dtype=jnp.float32) * (1.0 / np.sqrt(D))
    scale = jnp.asarray(0.1, dtype=jnp.float32)
    return {"x": x, "keys": keys_p, "values_down": values_down,
            "values_up": values_up, "hasher_w": hasher_w, "scale": scale}


def reference(x, keys, values_down, values_up, hasher_w, scale):
    b, t, d = x.shape
    # hasher: Linear(hidden_dim -> pattern_dim, bias=False)
    h = jnp.einsum('btd,pd->btp', x, hasher_w)
    # similarity to pattern keys
    sim = jnp.einsum('btp,np->btn', h, keys)
    vals, indices = jax.lax.top_k(sim, TOP_K)
    weights = jax.nn.softmax(vals, axis=-1)
    output = jnp.zeros_like(x)
    x_flat = x.reshape(-1, d)
    for k in range(TOP_K):
        idx = indices[:, :, k].reshape(-1)  # [B*T]
        w = weights[:, :, k:k + 1]          # [B, T, 1]
        v_down = jnp.take(values_down, idx, axis=0)  # [B*T, D, PD]
        v_up = jnp.take(values_up, idx, axis=0)      # [B*T, PD, D]
        proj = jnp.einsum('nd,ndp->np', x_flat, v_down)
        proj = jax.nn.silu(proj)
        out = jnp.einsum('np,npd->nd', proj, v_up).reshape(b, t, d)
        output = output + out * w
    return x + output * scale

if __name__ == "__main__":
    import jax
    _d = setup_inputs()
    print(jax.jit(kernel)(*tuple(_d.values())))

</pallas_src>

<mosaic_0001>
#map = affine_map<(d0, d1) -> (0, 0)>
#map1 = affine_map<(d0, d1) -> (0)>
module attributes {stable_mosaic.version = 14 : i64} {
  func.func @topk_kernel(%arg0: i32, %arg1: i32, %arg2: memref<256x2048xf32, #tpu.memory_space<hbm>>, %arg3: memref<2048xf32, #tpu.memory_space<hbm>>, %arg4: memref<2048xf32, #tpu.memory_space<hbm>>, %arg5: memref<2048xf32, #tpu.memory_space<hbm>>, %arg6: memref<256x128xf32, #tpu.memory_space<vmem>>, %arg7: memref<128xf32, #tpu.memory_space<vmem>>, %arg8: memref<128xf32, #tpu.memory_space<vmem>>, %arg9: memref<128xf32, #tpu.memory_space<vmem>>) attributes {dimension_semantics = [#tpu.dimension_semantics<core_parallel>, #tpu.dimension_semantics<subcore_parallel>], iteration_bounds = array<i64: 2, 16>, scalar_prefetch = 0 : i64, scratch_operands = 4 : i64, tpu.core_type = #tpu.core_type<sc_vector_subcore>, window_params = [{transform_indices = #map}, {transform_indices = #map1}, {transform_indices = #map1}, {transform_indices = #map1}]} {
    %mul3A = arith.constant 2 : i32
    %mul3A_0 = arith.muli %arg1, %mul3A : i32
    %add3A = arith.addi %mul3A_0, %arg0 : i32
    %lt3A = arith.constant 16 : i32
    %lt3A_1 = arith.cmpi slt, %add3A, %lt3A : i32
    %convert_element_type3A = arith.extui %lt3A_1 : i1 to i32
    %cond3A = arith.constant 0 : i32
    %cond3A_2 = arith.cmpi ne, %convert_element_type3A, %cond3A : i32
    scf.if %cond3A_2 {
      %mul3A_3 = arith.constant 128 : i32
      %mul3A_4 = arith.muli %add3A, %mul3A_3 : i32
      "tpu.region"() ({
        %run_scoped3A = tpu.sem_alloc : memref<!tpu.dma_semaphore, #tpu.memory_space<semaphore_mem>>
        %dma_start3A = arith.constant 0 : i32
        %dma_start3A_192 = tpu.memref_slice %arg2[%dma_start3A, %mul3A_4] : memref<256x2048xf32, #tpu.memory_space<hbm>> -> memref<256x128xf32, #tpu.memory_space<hbm>>
        %dma_start3A_193 = arith.constant 0 : i32
        %dma_start3A_194 = tpu.memref_slice %arg2[%dma_start3A_193, %mul3A_4] : memref<256x2048xf32, #tpu.memory_space<hbm>> -> memref<256x128xf32, #tpu.memory_space<hbm>>
        tpu.enqueue_dma source(%dma_start3A_194 : memref<256x128xf32, #tpu.memory_space<hbm>>) target(%arg6 : memref<256x128xf32, #tpu.memory_space<vmem>>) target_semaphore(%run_scoped3A : memref<!tpu.dma_semaphore, #tpu.memory_space<semaphore_mem>>)
        %dma_wait3A = arith.constant 0 : i32
        %dma_wait3A_195 = tpu.memref_slice %arg2[%dma_wait3A, %mul3A_4] : memref<256x2048xf32, #tpu.memory_space<hbm>> -> memref<256x128xf32, #tpu.memory_space<hbm>>
        %dma_wait3A_196 = arith.constant 0 : i32
        %dma_wait3A_197 = tpu.memref_slice %arg2[%dma_wait3A_196, %mul3A_4] : memref<256x2048xf32, #tpu.memory_space<hbm>> -> memref<256x128xf32, #tpu.memory_space<hbm>>
        tpu.wait_dma2 semaphore(%run_scoped3A : memref<!tpu.dma_semaphore, #tpu.memory_space<semaphore_mem>>) src(%dma_wait3A_197 : memref<256x128xf32, #tpu.memory_space<hbm>>) dst(%arg6 : memref<256x128xf32, #tpu.memory_space<vmem>>)
        tpu.yield
      }) : () -> ()
      %broadcast_in_dim3A = arith.constant -1.000000e+30 : f32
      %broadcast_in_dim3A_5 = vector.broadcast %broadcast_in_dim3A : f32 to vector<16xf32>
      %scan3A = arith.constant 0 : i32
      %scan3A_6 = arith.constant 128 : i32
      %scan3A_7 = arith.addi %scan3A, %scan3A_6 : i32
      %scan3A_8 = arith.constant 1 : i32
      %scan3A_9:32 = scf.for %scan3A_192 = %scan3A to %scan3A_7 step %scan3A_8 iter_args(%scan3A_193 = %broadcast_in_dim3A_5, %scan3A_194 = %broadcast_in_dim3A_5, %scan3A_195 = %broadcast_in_dim3A_5, %scan3A_196 = %broadcast_in_dim3A_5, %scan3A_197 = %broadcast_in_dim3A_5, %scan3A_198 = %broadcast_in_dim3A_5, %scan3A_199 = %broadcast_in_dim3A_5, %scan3A_200 = %broadcast_in_dim3A_5, %scan3A_201 = %broadcast_in_dim3A_5, %scan3A_202 = %broadcast_in_dim3A_5, %scan3A_203 = %broadcast_in_dim3A_5, %scan3A_204 = %broadcast_in_dim3A_5, %scan3A_205 = %broadcast_in_dim3A_5, %scan3A_206 = %broadcast_in_dim3A_5, %scan3A_207 = %broadcast_in_dim3A_5, %scan3A_208 = %broadcast_in_dim3A_5, %scan3A_209 = %broadcast_in_dim3A_5, %scan3A_210 = %broadcast_in_dim3A_5, %scan3A_211 = %broadcast_in_dim3A_5, %scan3A_212 = %broadcast_in_dim3A_5, %scan3A_213 = %broadcast_in_dim3A_5, %scan3A_214 = %broadcast_in_dim3A_5, %scan3A_215 = %broadcast_in_dim3A_5, %scan3A_216 = %broadcast_in_dim3A_5, %scan3A_217 = %broadcast_in_dim3A_5, %scan3A_218 = %broadcast_in_dim3A_5, %scan3A_219 = %broadcast_in_dim3A_5, %scan3A_220 = %broadcast_in_dim3A_5, %scan3A_221 = %broadcast_in_dim3A_5, %scan3A_222 = %broadcast_in_dim3A_5, %scan3A_223 = %broadcast_in_dim3A_5, %scan3A_224 = %broadcast_in_dim3A_5) -> (vector<16xf32>, vector<16xf32>, vector<16xf32>, vector<16xf32>, vector<16xf32>, vector<16xf32>, vector<16xf32>, vector<16xf32>, vector<16xf32>, vector<16xf32>, vector<16xf32>, vector<16xf32>, vector<16xf32>, vector<16xf32>, vector<16xf32>, vector<16xf32>, vector<16xf32>, vector<16xf32>, vector<16xf32>, vector<16xf32>, vector<16xf32>, vector<16xf32>, vector<16xf32>, vector<16xf32>, vector<16xf32>, vector<16xf32>, vector<16xf32>, vector<16xf32>, vector<16xf32>, vector<16xf32>, vector<16xf32>, vector<16xf32>)  : i32 {
        %mul3A_225 = arith.constant 2 : i32
        %mul3A_226 = arith.muli %scan3A_192, %mul3A_225 : i32
        %get3A = arith.index_cast %mul3A_226 : i32 to index
        %get3A_227 = arith.constant 0 : index
        %get3A_228 = tpu.vector_load %arg6[%get3A, %get3A_227] {strides = array<i32>} : memref<256x128xf32, #tpu.memory_space<vmem>>, vector<1x16xf32>,
        %get3A_229 = vector.shape_cast %get3A_228 : vector<1x16xf32> to vector<16xf32>
        %max3A = arith.maximumf %scan3A_193, %get3A_229 : vector<16xf32>
        %min3A = arith.minimumf %scan3A_193, %get3A_229 : vector<16xf32>
        %max3A_230 = arith.maximumf %scan3A_194, %min3A : vector<16xf32>
        %min3A_231 = arith.minimumf %scan3A_194, %min3A : vector<16xf32>
        %max3A_232 = arith.maximumf %scan3A_195, %min3A_231 : vector<16xf32>
        %min3A_233 = arith.minimumf %scan3A_195, %min3A_231 : vector<16xf32>
        %max3A_234 = arith.maximumf %scan3A_196, %min3A_233 : vector<16xf32>
        %add3A_235 = arith.constant 1 : i32
        %add3A_236 = arith.addi %mul3A_226, %add3A_235 : i32
        %get3A_237 = arith.index_cast %add3A_236 : i32 to index
        %get3A_238 = arith.constant 0 : index
        %get3A_239 = tpu.vector_load %arg6[%get3A_237, %get3A_238] {strides = array<i32>} : memref<256x128xf32, #tpu.memory_space<vmem>>, vector<1x16xf32>,
        %get3A_240 = vector.shape_cast %get3A_239 : vector<1x16xf32> to vector<16xf32>
        %max3A_241 = arith.maximumf %max3A, %get3A_240 : vector<16xf32>
        %min3A_242 = arith.minimumf %max3A, %get3A_240 : vector<16xf32>
        %max3A_243 = arith.maximumf %max3A_230, %min3A_242 : vector<16xf32>
        %min3A_244 = arith.minimumf %max3A_230, %min3A_242 : vector<16xf32>
        %max3A_245 = arith.maximumf %max3A_232, %min3A_244 : vector<16xf32>
        %min3A_246 = arith.minimumf %max3A_232, %min3A_244 : vector<16xf32>
        %max3A_247 = arith.maximumf %max3A_234, %min3A_246 : vector<16xf32>
        %get3A_248 = arith.index_cast %mul3A_226 : i32 to index
        %get3A_249 = arith.constant 16 : index
        %get3A_250 = tpu.vector_load %arg6[%get3A_248, %get3A_249] {strides = array<i32>} : memref<256x128xf32, #tpu.memory_space<vmem>>, vector<1x16xf32>,
        %get3A_251 = vector.shape_cast %get3A_250 : vector<1x16xf32> to vector<16xf32>
        %max3A_252 = arith.maximumf %scan3A_197, %get3A_251 : vector<16xf32>
        %min3A_253 = arith.minimumf %scan3A_197, %get3A_251 : vector<16xf32>
        %max3A_254 = arith.maximumf %scan3A_198, %min3A_253 : vector<16xf32>
        %min3A_255 = arith.minimumf %scan3A_198, %min3A_253 : vector<16xf32>
        %max3A_256 = arith.maximumf %scan3A_199, %min3A_255 : vector<16xf32>
        %min3A_257 = arith.minimumf %scan3A_199, %min3A_255 : vector<16xf32>
        %max3A_258 = arith.maximumf %scan3A_200, %min3A_257 : vector<16xf32>
        %add3A_259 = arith.constant 1 : i32
        %add3A_260 = arith.addi %mul3A_226, %add3A_259 : i32
        %get3A_261 = arith.index_cast %add3A_260 : i32 to index
        %get3A_262 = arith.constant 16 : index
        %get3A_263 = tpu.vector_load %arg6[%get3A_261, %get3A_262] {strides = array<i32>} : memref<256x128xf32, #tpu.memory_space<vmem>>, vector<1x16xf32>,
        %get3A_264 = vector.shape_cast %get3A_263 : vector<1x16xf32> to vector<16xf32>
        %max3A_265 = arith.maximumf %max3A_252, %get3A_264 : vector<16xf32>
        %min3A_266 = arith.minimumf %max3A_252, %get3A_264 : vector<16xf32>
        %max3A_267 = arith.maximumf %max3A_254, %min3A_266 : vector<16xf32>
        %min3A_268 = arith.minimumf %max3A_254, %min3A_266 : vector<16xf32>
        %max3A_269 = arith.maximumf %max3A_256, %min3A_268 : vector<16xf32>
        %min3A_270 = arith.minimumf %max3A_256, %min3A_268 : vector<16xf32>
        %max3A_271 = arith.maximumf %max3A_258, %min3A_270 : vector<16xf32>
        %get3A_272 = arith.index_cast %mul3A_226 : i32 to index
        %get3A_273 = arith.constant 32 : index
        %get3A_274 = tpu.vector_load %arg6[%get3A_272, %get3A_273] {strides = array<i32>} : memref<256x128xf32, #tpu.memory_space<vmem>>, vector<1x16xf32>,
        %get3A_275 = vector.shape_cast %get3A_274 : vector<1x16xf32> to vector<16xf32>
        %max3A_276 = arith.maximumf %scan3A_201, %get3A_275 : vector<16xf32>
        %min3A_277 = arith.minimumf %scan3A_201, %get3A_275 : vector<16xf32>
        %max3A_278 = arith.maximumf %scan3A_202, %min3A_277 : vector<16xf32>
        %min3A_279 = arith.minimumf %scan3A_202, %min3A_277 : vector<16xf32>
        %max3A_280 = arith.maximumf %scan3A_203, %min3A_279 : vector<16xf32>
        %min3A_281 = arith.minimumf %scan3A_203, %min3A_279 : vector<16xf32>
        %max3A_282 = arith.maximumf %scan3A_204, %min3A_281 : vector<16xf32>
        %add3A_283 = arith.constant 1 : i32
        %add3A_284 = arith.addi %mul3A_226, %add3A_283 : i32
        %get3A_285 = arith.index_cast %add3A_284 : i32 to index
        %get3A_286 = arith.constant 32 : index
        %get3A_287 = tpu.vector_load %arg6[%get3A_285, %get3A_286] {strides = array<i32>} : memref<256x128xf32, #tpu.memory_space<vmem>>, vector<1x16xf32>,
        %get3A_288 = vector.shape_cast %get3A_287 : vector<1x16xf32> to vector<16xf32>
        %max3A_289 = arith.maximumf %max3A_276, %get3A_288 : vector<16xf32>
        %min3A_290 = arith.minimumf %max3A_276, %get3A_288 : vector<16xf32>
        %max3A_291 = arith.maximumf %max3A_278, %min3A_290 : vector<16xf32>
        %min3A_292 = arith.minimumf %max3A_278, %min3A_290 : vector<16xf32>
        %max3A_293 = arith.maximumf %max3A_280, %min3A_292 : vector<16xf32>
        %min3A_294 = arith.minimumf %max3A_280, %min3A_292 : vector<16xf32>
        %max3A_295 = arith.maximumf %max3A_282, %min3A_294 : vector<16xf32>
        %get3A_296 = arith.index_cast %mul3A_226 : i32 to index
        %get3A_297 = arith.constant 48 : index
        %get3A_298 = tpu.vector_load %arg6[%get3A_296, %get3A_297] {strides = array<i32>} : memref<256x128xf32, #tpu.memory_space<vmem>>, vector<1x16xf32>,
        %get3A_299 = vector.shape_cast %get3A_298 : vector<1x16xf32> to vector<16xf32>
        %max3A_300 = arith.maximumf %scan3A_205, %get3A_299 : vector<16xf32>
        %min3A_301 = arith.minimumf %scan3A_205, %get3A_299 : vector<16xf32>
        %max3A_302 = arith.maximumf %scan3A_206, %min3A_301 : vector<16xf32>
        %min3A_303 = arith.minimumf %scan3A_206, %min3A_301 : vector<16xf32>
        %max3A_304 = arith.maximumf %scan3A_207, %min3A_303 : vector<16xf32>
        %min3A_305 = arith.minimumf %scan3A_207, %min3A_303 : vector<16xf32>
        %max3A_306 = arith.maximumf %scan3A_208, %min3A_305 : vector<16xf32>
        %add3A_307 = arith.constant 1 : i32
        %add3A_308 = arith.addi %mul3A_226, %add3A_307 : i32
        %get3A_309 = arith.index_cast %add3A_308 : i32 to index
        %get3A_310 = arith.constant 48 : index
        %get3A_311 = tpu.vector_load %arg6[%get3A_309, %get3A_310] {strides = array<i32>} : memref<256x128xf32, #tpu.memory_space<vmem>>, vector<1x16xf32>,
        %get3A_312 = vector.shape_cast %get3A_311 : vector<1x16xf32> to vector<16xf32>
        %max3A_313 = arith.maximumf %max3A_300, %get3A_312 : vector<16xf32>
        %min3A_314 = arith.minimumf %max3A_300, %get3A_312 : vector<16xf32>
        %max3A_315 = arith.maximumf %max3A_302, %min3A_314 : vector<16xf32>
        %min3A_316 = arith.minimumf %max3A_302, %min3A_314 : vector<16xf32>
        %max3A_317 = arith.maximumf %max3A_304, %min3A_316 : vector<16xf32>
        %min3A_318 = arith.minimumf %max3A_304, %min3A_316 : vector<16xf32>
        %max3A_319 = arith.maximumf %max3A_306, %min3A_318 : vector<16xf32>
        %get3A_320 = arith.index_cast %mul3A_226 : i32 to index
        %get3A_321 = arith.constant 64 : index
        %get3A_322 = tpu.vector_load %arg6[%get3A_320, %get3A_321] {strides = array<i32>} : memref<256x128xf32, #tpu.memory_space<vmem>>, vector<1x16xf32>,
        %get3A_323 = vector.shape_cast %get3A_322 : vector<1x16xf32> to vector<16xf32>
        %max3A_324 = arith.maximumf %scan3A_209, %get3A_323 : vector<16xf32>
        %min3A_325 = arith.minimumf %scan3A_209, %get3A_323 : vector<16xf32>
        %max3A_326 = arith.maximumf %scan3A_210, %min3A_325 : vector<16xf32>
        %min3A_327 = arith.minimumf %scan3A_210, %min3A_325 : vector<16xf32>
        %max3A_328 = arith.maximumf %scan3A_211, %min3A_327 : vector<16xf32>
        %min3A_329 = arith.minimumf %scan3A_211, %min3A_327 : vector<16xf32>
        %max3A_330 = arith.maximumf %scan3A_212, %min3A_329 : vector<16xf32>
        %add3A_331 = arith.constant 1 : i32
        %add3A_332 = arith.addi %mul3A_226, %add3A_331 : i32
        %get3A_333 = arith.index_cast %add3A_332 : i32 to index
        %get3A_334 = arith.constant 64 : index
        %get3A_335 = tpu.vector_load %arg6[%get3A_333, %get3A_334] {strides = array<i32>} : memref<256x128xf32, #tpu.memory_space<vmem>>, vector<1x16xf32>,
        %get3A_336 = vector.shape_cast %get3A_335 : vector<1x16xf32> to vector<16xf32>
        %max3A_337 = arith.maximumf %max3A_324, %get3A_336 : vector<16xf32>
        %min3A_338 = arith.minimumf %max3A_324, %get3A_336 : vector<16xf32>
        %max3A_339 = arith.maximumf %max3A_326, %min3A_338 : vector<16xf32>
        %min3A_340 = arith.minimumf %max3A_326, %min3A_338 : vector<16xf32>
        %max3A_341 = arith.maximumf %max3A_328, %min3A_340 : vector<16xf32>
        %min3A_342 = arith.minimumf %max3A_328, %min3A_340 : vector<16xf32>
        %max3A_343 = arith.maximumf %max3A_330, %min3A_342 : vector<16xf32>
        %get3A_344 = arith.index_cast %mul3A_226 : i32 to index
        %get3A_345 = arith.constant 80 : index
        %get3A_346 = tpu.vector_load %arg6[%get3A_344, %get3A_345] {strides = array<i32>} : memref<256x128xf32, #tpu.memory_space<vmem>>, vector<1x16xf32>,
        %get3A_347 = vector.shape_cast %get3A_346 : vector<1x16xf32> to vector<16xf32>
        %max3A_348 = arith.maximumf %scan3A_213, %get3A_347 : vector<16xf32>
        %min3A_349 = arith.minimumf %scan3A_213, %get3A_347 : vector<16xf32>
        %max3A_350 = arith.maximumf %scan3A_214, %min3A_349 : vector<16xf32>
        %min3A_351 = arith.minimumf %scan3A_214, %min3A_349 : vector<16xf32>
        %max3A_352 = arith.maximumf %scan3A_215, %min3A_351 : vector<16xf32>
        %min3A_353 = arith.minimumf %scan3A_215, %min3A_351 : vector<16xf32>
        %max3A_354 = arith.maximumf %scan3A_216, %min3A_353 : vector<16xf32>
        %add3A_355 = arith.constant 1 : i32
        %add3A_356 = arith.addi %mul3A_226, %add3A_355 : i32
        %get3A_357 = arith.index_cast %add3A_356 : i32 to index
        %get3A_358 = arith.constant 80 : index
        %get3A_359 = tpu.vector_load %arg6[%get3A_357, %get3A_358] {strides = array<i32>} : memref<256x128xf32, #tpu.memory_space<vmem>>, vector<1x16xf32>,
        %get3A_360 = vector.shape_cast %get3A_359 : vector<1x16xf32> to vector<16xf32>
        %max3A_361 = arith.maximumf %max3A_348, %get3A_360 : vector<16xf32>
        %min3A_362 = arith.minimumf %max3A_348, %get3A_360 : vector<16xf32>
        %max3A_363 = arith.maximumf %max3A_350, %min3A_362 : vector<16xf32>
        %min3A_364 = arith.minimumf %max3A_350, %min3A_362 : vector<16xf32>
        %max3A_365 = arith.maximumf %max3A_352, %min3A_364 : vector<16xf32>
        %min3A_366 = arith.minimumf %max3A_352, %min3A_364 : vector<16xf32>
        %max3A_367 = arith.maximumf %max3A_354, %min3A_366 : vector<16xf32>
        %get3A_368 = arith.index_cast %mul3A_226 : i32 to index
        %get3A_369 = arith.constant 96 : index
        %get3A_370 = tpu.vector_load %arg6[%get3A_368, %get3A_369] {strides = array<i32>} : memref<256x128xf32, #tpu.memory_space<vmem>>, vector<1x16xf32>,
        %get3A_371 = vector.shape_cast %get3A_370 : vector<1x16xf32> to vector<16xf32>
        %max3A_372 = arith.maximumf %scan3A_217, %get3A_371 : vector<16xf32>
        %min3A_373 = arith.minimumf %scan3A_217, %get3A_371 : vector<16xf32>
        %max3A_374 = arith.maximumf %scan3A_218, %min3A_373 : vector<16xf32>
        %min3A_375 = arith.minimumf %scan3A_218, %min3A_373 : vector<16xf32>
        %max3A_376 = arith.maximumf %scan3A_219, %min3A_375 : vector<16xf32>
        %min3A_377 = arith.minimumf %scan3A_219, %min3A_375 : vector<16xf32>
        %max3A_378 = arith.maximumf %scan3A_220, %min3A_377 : vector<16xf32>
        %add3A_379 = arith.constant 1 : i32
        %add3A_380 = arith.addi %mul3A_226, %add3A_379 : i32
        %get3A_381 = arith.index_cast %add3A_380 : i32 to index
        %get3A_382 = arith.constant 96 : index
        %get3A_383 = tpu.vector_load %arg6[%get3A_381, %get3A_382] {strides = array<i32>} : memref<256x128xf32, #tpu.memory_space<vmem>>, vector<1x16xf32>,
        %get3A_384 = vector.shape_cast %get3A_383 : vector<1x16xf32> to vector<16xf32>
        %max3A_385 = arith.maximumf %max3A_372, %get3A_384 : vector<16xf32>
        %min3A_386 = arith.minimumf %max3A_372, %get3A_384 : vector<16xf32>
        %max3A_387 = arith.maximumf %max3A_374, %min3A_386 : vector<16xf32>
        %min3A_388 = arith.minimumf %max3A_374, %min3A_386 : vector<16xf32>
        %max3A_389 = arith.maximumf %max3A_376, %min3A_388 : vector<16xf32>
        %min3A_390 = arith.minimumf %max3A_376, %min3A_388 : vector<16xf32>
        %max3A_391 = arith.maximumf %max3A_378, %min3A_390 : vector<16xf32>
        %get3A_392 = arith.index_cast %mul3A_226 : i32 to index
        %get3A_393 = arith.constant 112 : index
        %get3A_394 = tpu.vector_load %arg6[%get3A_392, %get3A_393] {strides = array<i32>} : memref<256x128xf32, #tpu.memory_space<vmem>>, vector<1x16xf32>,
        %get3A_395 = vector.shape_cast %get3A_394 : vector<1x16xf32> to vector<16xf32>
        %max3A_396 = arith.maximumf %scan3A_221, %get3A_395 : vector<16xf32>
        %min3A_397 = arith.minimumf %scan3A_221, %get3A_395 : vector<16xf32>
        %max3A_398 = arith.maximumf %scan3A_222, %min3A_397 : vector<16xf32>
        %min3A_399 = arith.minimumf %scan3A_222, %min3A_397 : vector<16xf32>
        %max3A_400 = arith.maximumf %scan3A_223, %min3A_399 : vector<16xf32>
        %min3A_401 = arith.minimumf %scan3A_223, %min3A_399 : vector<16xf32>
        %max3A_402 = arith.maximumf %scan3A_224, %min3A_401 : vector<16xf32>
        %add3A_403 = arith.constant 1 : i32
        %add3A_404 = arith.addi %mul3A_226, %add3A_403 : i32
        %get3A_405 = arith.index_cast %add3A_404 : i32 to index
        %get3A_406 = arith.constant 112 : index
        %get3A_407 = tpu.vector_load %arg6[%get3A_405, %get3A_406] {strides = array<i32>} : memref<256x128xf32, #tpu.memory_space<vmem>>, vector<1x16xf32>,
        %get3A_408 = vector.shape_cast %get3A_407 : vector<1x16xf32> to vector<16xf32>
        %max3A_409 = arith.maximumf %max3A_396, %get3A_408 : vector<16xf32>
        %min3A_410 = arith.minimumf %max3A_396, %get3A_408 : vector<16xf32>
        %max3A_411 = arith.maximumf %max3A_398, %min3A_410 : vector<16xf32>
        %min3A_412 = arith.minimumf %max3A_398, %min3A_410 : vector<16xf32>
        %max3A_413 = arith.maximumf %max3A_400, %min3A_412 : vector<16xf32>
        %min3A_414 = arith.minimumf %max3A_400, %min3A_412 : vector<16xf32>
        %max3A_415 = arith.maximumf %max3A_402, %min3A_414 : vector<16xf32>
        scf.yield %max3A_241, %max3A_243, %max3A_245, %max3A_247, %max3A_265, %max3A_267, %max3A_269, %max3A_271, %max3A_289, %max3A_291, %max3A_293, %max3A_295, %max3A_313, %max3A_315, %max3A_317, %max3A_319, %max3A_337, %max3A_339, %max3A_341, %max3A_343, %max3A_361, %max3A_363, %max3A_365, %max3A_367, %max3A_385, %max3A_387, %max3A_389, %max3A_391, %max3A_409, %max3A_411, %max3A_413, %max3A_415 : vector<16xf32>, vector<16xf32>, vector<16xf32>, vector<16xf32>, vector<16xf32>, vector<16xf32>, vector<16xf32>, vector<16xf32>, vector<16xf32>, vector<16xf32>, vector<16xf32>, vector<16xf32>, vector<16xf32>, vector<16xf32>, vector<16xf32>, vector<16xf32>, vector<16xf32>, vector<16xf32>, vector<16xf32>, vector<16xf32>, vector<16xf32>, vector<16xf32>, vector<16xf32>, vector<16xf32>, vector<16xf32>, vector<16xf32>, vector<16xf32>, vector<16xf32>, vector<16xf32>, vector<16xf32>, vector<16xf32>, vector<16xf32>
      }
      %scan3A_10 = arith.constant 128 : i32
      %sub3A = arith.subf %scan3A_9#1, %scan3A_9#0 : vector<16xf32>
      %exp3A = math.exp %sub3A : vector<16xf32>
      %add3A_11 = arith.constant 1.000000e+00 : f32
      %add3A_12 = vector.broadcast %add3A_11 : f32 to vector<16xf32>
      %add3A_13 = arith.addf %add3A_12, %exp3A : vector<16xf32>
      %sub3A_14 = arith.subf %scan3A_9#2, %scan3A_9#0 : vector<16xf32>
      %exp3A_15 = math.exp %sub3A_14 : vector<16xf32>
      %add3A_16 = arith.addf %add3A_13, %exp3A_15 : vector<16xf32>
      %sub3A_17 = arith.subf %scan3A_9#3, %scan3A_9#0 : vector<16xf32>
      %exp3A_18 = math.exp %sub3A_17 : vector<16xf32>
      %add3A_19 = arith.addf %add3A_16, %exp3A_18 : vector<16xf32>
      %swap3A = arith.constant 0 : index
      %swap3A_20 = tpu.vector_load %arg7[%swap3A] {strides = array<i32>} : memref<128xf32, #tpu.memory_space<vmem>>, vector<16xf32>,
      %swap3A_21 = vector.shape_cast %swap3A_20 : vector<16xf32> to vector<16xf32>
      %swap3A_22 = vector.shape_cast %scan3A_9#0 : vector<16xf32> to vector<16xf32>
      tpu.vector_store %arg7[%swap3A], %swap3A_22 {strides = array<i32>} : memref<128xf32, #tpu.memory_space<vmem>>, vector<16xf32>,
      %swap3A_23 = arith.constant 0 : index
      %swap3A_24 = tpu.vector_load %arg8[%swap3A_23] {strides = array<i32>} : memref<128xf32, #tpu.memory_space<vmem>>, vector<16xf32>,
      %swap3A_25 = vector.shape_cast %swap3A_24 : vector<16xf32> to vector<16xf32>
      %swap3A_26 = vector.shape_cast %scan3A_9#3 : vector<16xf32> to vector<16xf32>
      tpu.vector_store %arg8[%swap3A_23], %swap3A_26 {strides = array<i32>} : memref<128xf32, #tpu.memory_space<vmem>>, vector<16xf32>,
      %swap3A_27 = arith.constant 0 : index
      %swap3A_28 = tpu.vector_load %arg9[%swap3A_27] {strides = array<i32>} : memref<128xf32, #tpu.memory_space<vmem>>, vector<16xf32>,
      %swap3A_29 = vector.shape_cast %swap3A_28 : vector<16xf32> to vector<16xf32>
      %swap3A_30 = vector.shape_cast %add3A_19 : vector<16xf32> to vector<16xf32>
      tpu.vector_store %arg9[%swap3A_27], %swap3A_30 {strides = array<i32>} : memref<128xf32, #tpu.memory_space<vmem>>, vector<16xf32>,
      %sub3A_31 = arith.subf %scan3A_9#5, %scan3A_9#4 : vector<16xf32>
      %exp3A_32 = math.exp %sub3A_31 : vector<16xf32>
      %add3A_33 = arith.constant 1.000000e+00 : f32
      %add3A_34 = vector.broadcast %add3A_33 : f32 to vector<16xf32>
      %add3A_35 = arith.addf %add3A_34, %exp3A_32 : vector<16xf32>
      %sub3A_36 = arith.subf %scan3A_9#6, %scan3A_9#4 : vector<16xf32>
      %exp3A_37 = math.exp %sub3A_36 : vector<16xf32>
      %add3A_38 = arith.addf %add3A_35, %exp3A_37 : vector<16xf32>
      %sub3A_39 = arith.subf %scan3A_9#7, %scan3A_9#4 : vector<16xf32>
      %exp3A_40 = math.exp %sub3A_39 : vector<16xf32>
      %add3A_41 = arith.addf %add3A_38, %exp3A_40 : vector<16xf32>
      %swap3A_42 = arith.constant 16 : index
      %swap3A_43 = tpu.vector_load %arg7[%swap3A_42] {strides = array<i32>} : memref<128xf32, #tpu.memory_space<vmem>>, vector<16xf32>,
      %swap3A_44 = vector.shape_cast %swap3A_43 : vector<16xf32> to vector<16xf32>
      %swap3A_45 = vector.shape_cast %scan3A_9#4 : vector<16xf32> to vector<16xf32>
      tpu.vector_store %arg7[%swap3A_42], %swap3A_45 {strides = array<i32>} : memref<128xf32, #tpu.memory_space<vmem>>, vector<16xf32>,
      %swap3A_46 = arith.constant 16 : index
      %swap3A_47 = tpu.vector_load %arg8[%swap3A_46] {strides = array<i32>} : memref<128xf32, #tpu.memory_space<vmem>>, vector<16xf32>,
      %swap3A_48 = vector.shape_cast %swap3A_47 : vector<16xf32> to vector<16xf32>
      %swap3A_49 = vector.shape_cast %scan3A_9#7 : vector<16xf32> to vector<16xf32>
      tpu.vector_store %arg8[%swap3A_46], %swap3A_49 {strides = array<i32>} : memref<128xf32, #tpu.memory_space<vmem>>, vector<16xf32>,
      %swap3A_50 = arith.constant 16 : index
      %swap3A_51 = tpu.vector_load %arg9[%swap3A_50] {strides = array<i32>} : memref<128xf32, #tpu.memory_space<vmem>>, vector<16xf32>,
      %swap3A_52 = vector.shape_cast %swap3A_51 : vector<16xf32> to vector<16xf32>
      %swap3A_53 = vector.shape_cast %add3A_41 : vector<16xf32> to vector<16xf32>
      tpu.vector_store %arg9[%swap3A_50], %swap3A_53 {strides = array<i32>} : memref<128xf32, #tpu.memory_space<vmem>>, vector<16xf32>,
      %sub3A_54 = arith.subf %scan3A_9#9, %scan3A_9#8 : vector<16xf32>
      %exp3A_55 = math.exp %sub3A_54 : vector<16xf32>
      %add3A_56 = arith.constant 1.000000e+00 : f32
      %add3A_57 = vector.broadcast %add3A_56 : f32 to vector<16xf32>
      %add3A_58 = arith.addf %add3A_57, %exp3A_55 : vector<16xf32>
      %sub3A_59 = arith.subf %scan3A_9#10, %scan3A_9#8 : vector<16xf32>
      %exp3A_60 = math.exp %sub3A_59 : vector<16xf32>
      %add3A_61 = arith.addf %add3A_58, %exp3A_60 : vector<16xf32>
      %sub3A_62 = arith.subf %scan3A_9#11, %scan3A_9#8 : vector<16xf32>
      %exp3A_63 = math.exp %sub3A_62 : vector<16xf32>
      %add3A_64 = arith.addf %add3A_61, %exp3A_63 : vector<16xf32>
      %swap3A_65 = arith.constant 32 : index
      %swap3A_66 = tpu.vector_load %arg7[%swap3A_65] {strides = array<i32>} : memref<128xf32, #tpu.memory_space<vmem>>, vector<16xf32>,
      %swap3A_67 = vector.shape_cast %swap3A_66 : vector<16xf32> to vector<16xf32>
      %swap3A_68 = vector.shape_cast %scan3A_9#8 : vector<16xf32> to vector<16xf32>
      tpu.vector_store %arg7[%swap3A_65], %swap3A_68 {strides = array<i32>} : memref<128xf32, #tpu.memory_space<vmem>>, vector<16xf32>,
      %swap3A_69 = arith.constant 32 : index
      %swap3A_70 = tpu.vector_load %arg8[%swap3A_69] {strides = array<i32>} : memref<128xf32, #tpu.memory_space<vmem>>, vector<16xf32>,
      %swap3A_71 = vector.shape_cast %swap3A_70 : vector<16xf32> to vector<16xf32>
      %swap3A_72 = vector.shape_cast %scan3A_9#11 : vector<16xf32> to vector<16xf32>
      tpu.vector_store %arg8[%swap3A_69], %swap3A_72 {strides = array<i32>} : memref<128xf32, #tpu.memory_space<vmem>>, vector<16xf32>,
      %swap3A_73 = arith.constant 32 : index
      %swap3A_74 = tpu.vector_load %arg9[%swap3A_73] {strides = array<i32>} : memref<128xf32, #tpu.memory_space<vmem>>, vector<16xf32>,
      %swap3A_75 = vector.shape_cast %swap3A_74 : vector<16xf32> to vector<16xf32>
      %swap3A_76 = vector.shape_cast %add3A_64 : vector<16xf32> to vector<16xf32>
      tpu.vector_store %arg9[%swap3A_73], %swap3A_76 {strides = array<i32>} : memref<128xf32, #tpu.memory_space<vmem>>, vector<16xf32>,
      %sub3A_77 = arith.subf %scan3A_9#13, %scan3A_9#12 : vector<16xf32>
      %exp3A_78 = math.exp %sub3A_77 : vector<16xf32>
      %add3A_79 = arith.constant 1.000000e+00 : f32
      %add3A_80 = vector.broadcast %add3A_79 : f32 to vector<16xf32>
      %add3A_81 = arith.addf %add3A_80, %exp3A_78 : vector<16xf32>
      %sub3A_82 = arith.subf %scan3A_9#14, %scan3A_9#12 : vector<16xf32>
      %exp3A_83 = math.exp %sub3A_82 : vector<16xf32>
      %add3A_84 = arith.addf %add3A_81, %exp3A_83 : vector<16xf32>
      %sub3A_85 = arith.subf %scan3A_9#15, %scan3A_9#12 : vector<16xf32>
      %exp3A_86 = math.exp %sub3A_85 : vector<16xf32>
      %add3A_87 = arith.addf %add3A_84, %exp3A_86 : vector<16xf32>
      %swap3A_88 = arith.constant 48 : index
      %swap3A_89 = tpu.vector_load %arg7[%swap3A_88] {strides = array<i32>} : memref<128xf32, #tpu.memory_space<vmem>>, vector<16xf32>,
      %swap3A_90 = vector.shape_cast %swap3A_89 : vector<16xf32> to vector<16xf32>
      %swap3A_91 = vector.shape_cast %scan3A_9#12 : vector<16xf32> to vector<16xf32>
      tpu.vector_store %arg7[%swap3A_88], %swap3A_91 {strides = array<i32>} : memref<128xf32, #tpu.memory_space<vmem>>, vector<16xf32>,
      %swap3A_92 = arith.constant 48 : index
      %swap3A_93 = tpu.vector_load %arg8[%swap3A_92] {strides = array<i32>} : memref<128xf32, #tpu.memory_space<vmem>>, vector<16xf32>,
      %swap3A_94 = vector.shape_cast %swap3A_93 : vector<16xf32> to vector<16xf32>
      %swap3A_95 = vector.shape_cast %scan3A_9#15 : vector<16xf32> to vector<16xf32>
      tpu.vector_store %arg8[%swap3A_92], %swap3A_95 {strides = array<i32>} : memref<128xf32, #tpu.memory_space<vmem>>, vector<16xf32>,
      %swap3A_96 = arith.constant 48 : index
      %swap3A_97 = tpu.vector_load %arg9[%swap3A_96] {strides = array<i32>} : memref<128xf32, #tpu.memory_space<vmem>>, vector<16xf32>,
      %swap3A_98 = vector.shape_cast %swap3A_97 : vector<16xf32> to vector<16xf32>
      %swap3A_99 = vector.shape_cast %add3A_87 : vector<16xf32> to vector<16xf32>
      tpu.vector_store %arg9[%swap3A_96], %swap3A_99 {strides = array<i32>} : memref<128xf32, #tpu.memory_space<vmem>>, vector<16xf32>,
      %sub3A_100 = arith.subf %scan3A_9#17, %scan3A_9#16 : vector<16xf32>
      %exp3A_101 = math.exp %sub3A_100 : vector<16xf32>
      %add3A_102 = arith.constant 1.000000e+00 : f32
      %add3A_103 = vector.broadcast %add3A_102 : f32 to vector<16xf32>
      %add3A_104 = arith.addf %add3A_103, %exp3A_101 : vector<16xf32>
      %sub3A_105 = arith.subf %scan3A_9#18, %scan3A_9#16 : vector<16xf32>
      %exp3A_106 = math.exp %sub3A_105 : vector<16xf32>
      %add3A_107 = arith.addf %add3A_104, %exp3A_106 : vector<16xf32>
      %sub3A_108 = arith.subf %scan3A_9#19, %scan3A_9#16 : vector<16xf32>
      %exp3A_109 = math.exp %sub3A_108 : vector<16xf32>
      %add3A_110 = arith.addf %add3A_107, %exp3A_109 : vector<16xf32>
      %swap3A_111 = arith.constant 64 : index
      %swap3A_112 = tpu.vector_load %arg7[%swap3A_111] {strides = array<i32>} : memref<128xf32, #tpu.memory_space<vmem>>, vector<16xf32>,
      %swap3A_113 = vector.shape_cast %swap3A_112 : vector<16xf32> to vector<16xf32>
      %swap3A_114 = vector.shape_cast %scan3A_9#16 : vector<16xf32> to vector<16xf32>
      tpu.vector_store %arg7[%swap3A_111], %swap3A_114 {strides = array<i32>} : memref<128xf32, #tpu.memory_space<vmem>>, vector<16xf32>,
      %swap3A_115 = arith.constant 64 : index
      %swap3A_116 = tpu.vector_load %arg8[%swap3A_115] {strides = array<i32>} : memref<128xf32, #tpu.memory_space<vmem>>, vector<16xf32>,
      %swap3A_117 = vector.shape_cast %swap3A_116 : vector<16xf32> to vector<16xf32>
      %swap3A_118 = vector.shape_cast %scan3A_9#19 : vector<16xf32> to vector<16xf32>
      tpu.vector_store %arg8[%swap3A_115], %swap3A_118 {strides = array<i32>} : memref<128xf32, #tpu.memory_space<vmem>>, vector<16xf32>,
      %swap3A_119 = arith.constant 64 : index
      %swap3A_120 = tpu.vector_load %arg9[%swap3A_119] {strides = array<i32>} : memref<128xf32, #tpu.memory_space<vmem>>, vector<16xf32>,
      %swap3A_121 = vector.shape_cast %swap3A_120 : vector<16xf32> to vector<16xf32>
      %swap3A_122 = vector.shape_cast %add3A_110 : vector<16xf32> to vector<16xf32>
      tpu.vector_store %arg9[%swap3A_119], %swap3A_122 {strides = array<i32>} : memref<128xf32, #tpu.memory_space<vmem>>, vector<16xf32>,
      %sub3A_123 = arith.subf %scan3A_9#21, %scan3A_9#20 : vector<16xf32>
      %exp3A_124 = math.exp %sub3A_123 : vector<16xf32>
      %add3A_125 = arith.constant 1.000000e+00 : f32
      %add3A_126 = vector.broadcast %add3A_125 : f32 to vector<16xf32>
      %add3A_127 = arith.addf %add3A_126, %exp3A_124 : vector<16xf32>
      %sub3A_128 = arith.subf %scan3A_9#22, %scan3A_9#20 : vector<16xf32>
      %exp3A_129 = math.exp %sub3A_128 : vector<16xf32>
      %add3A_130 = arith.addf %add3A_127, %exp3A_129 : vector<16xf32>
      %sub3A_131 = arith.subf %scan3A_9#23, %scan3A_9#20 : vector<16xf32>
      %exp3A_132 = math.exp %sub3A_131 : vector<16xf32>
      %add3A_133 = arith.addf %add3A_130, %exp3A_132 : vector<16xf32>
      %swap3A_134 = arith.constant 80 : index
      %swap3A_135 = tpu.vector_load %arg7[%swap3A_134] {strides = array<i32>} : memref<128xf32, #tpu.memory_space<vmem>>, vector<16xf32>,
      %swap3A_136 = vector.shape_cast %swap3A_135 : vector<16xf32> to vector<16xf32>
      %swap3A_137 = vector.shape_cast %scan3A_9#20 : vector<16xf32> to vector<16xf32>
      tpu.vector_store %arg7[%swap3A_134], %swap3A_137 {strides = array<i32>} : memref<128xf32, #tpu.memory_space<vmem>>, vector<16xf32>,
      %swap3A_138 = arith.constant 80 : index
      %swap3A_139 = tpu.vector_load %arg8[%swap3A_138] {strides = array<i32>} : memref<128xf32, #tpu.memory_space<vmem>>, vector<16xf32>,
      %swap3A_140 = vector.shape_cast %swap3A_139 : vector<16xf32> to vector<16xf32>
      %swap3A_141 = vector.shape_cast %scan3A_9#23 : vector<16xf32> to vector<16xf32>
      tpu.vector_store %arg8[%swap3A_138], %swap3A_141 {strides = array<i32>} : memref<128xf32, #tpu.memory_space<vmem>>, vector<16xf32>,
      %swap3A_142 = arith.constant 80 : index
      %swap3A_143 = tpu.vector_load %arg9[%swap3A_142] {strides = array<i32>} : memref<128xf32, #tpu.memory_space<vmem>>, vector<16xf32>,
      %swap3A_144 = vector.shape_cast %swap3A_143 : vector<16xf32> to vector<16xf32>
      %swap3A_145 = vector.shape_cast %add3A_133 : vector<16xf32> to vector<16xf32>
      tpu.vector_store %arg9[%swap3A_142], %swap3A_145 {strides = array<i32>} : memref<128xf32, #tpu.memory_space<vmem>>, vector<16xf32>,
      %sub3A_146 = arith.subf %scan3A_9#25, %scan3A_9#24 : vector<16xf32>
      %exp3A_147 = math.exp %sub3A_146 : vector<16xf32>
      %add3A_148 = arith.constant 1.000000e+00 : f32
      %add3A_149 = vector.broadcast %add3A_148 : f32 to vector<16xf32>
      %add3A_150 = arith.addf %add3A_149, %exp3A_147 : vector<16xf32>
      %sub3A_151 = arith.subf %scan3A_9#26, %scan3A_9#24 : vector<16xf32>
      %exp3A_152 = math.exp %sub3A_151 : vector<16xf32>
      %add3A_153 = arith.addf %add3A_150, %exp3A_152 : vector<16xf32>
      %sub3A_154 = arith.subf %scan3A_9#27, %scan3A_9#24 : vector<16xf32>
      %exp3A_155 = math.exp %sub3A_154 : vector<16xf32>
      %add3A_156 = arith.addf %add3A_153, %exp3A_155 : vector<16xf32>
      %swap3A_157 = arith.constant 96 : index
      %swap3A_158 = tpu.vector_load %arg7[%swap3A_157] {strides = array<i32>} : memref<128xf32, #tpu.memory_space<vmem>>, vector<16xf32>,
      %swap3A_159 = vector.shape_cast %swap3A_158 : vector<16xf32> to vector<16xf32>
      %swap3A_160 = vector.shape_cast %scan3A_9#24 : vector<16xf32> to vector<16xf32>
      tpu.vector_store %arg7[%swap3A_157], %swap3A_160 {strides = array<i32>} : memref<128xf32, #tpu.memory_space<vmem>>, vector<16xf32>,
      %swap3A_161 = arith.constant 96 : index
      %swap3A_162 = tpu.vector_load %arg8[%swap3A_161] {strides = array<i32>} : memref<128xf32, #tpu.memory_space<vmem>>, vector<16xf32>,
      %swap3A_163 = vector.shape_cast %swap3A_162 : vector<16xf32> to vector<16xf32>
      %swap3A_164 = vector.shape_cast %scan3A_9#27 : vector<16xf32> to vector<16xf32>
      tpu.vector_store %arg8[%swap3A_161], %swap3A_164 {strides = array<i32>} : memref<128xf32, #tpu.memory_space<vmem>>, vector<16xf32>,
      %swap3A_165 = arith.constant 96 : index
      %swap3A_166 = tpu.vector_load %arg9[%swap3A_165] {strides = array<i32>} : memref<128xf32, #tpu.memory_space<vmem>>, vector<16xf32>,
      %swap3A_167 = vector.shape_cast %swap3A_166 : vector<16xf32> to vector<16xf32>
      %swap3A_168 = vector.shape_cast %add3A_156 : vector<16xf32> to vector<16xf32>
      tpu.vector_store %arg9[%swap3A_165], %swap3A_168 {strides = array<i32>} : memref<128xf32, #tpu.memory_space<vmem>>, vector<16xf32>,
      %sub3A_169 = arith.subf %scan3A_9#29, %scan3A_9#28 : vector<16xf32>
      %exp3A_170 = math.exp %sub3A_169 : vector<16xf32>
      %add3A_171 = arith.constant 1.000000e+00 : f32
      %add3A_172 = vector.broadcast %add3A_171 : f32 to vector<16xf32>
      %add3A_173 = arith.addf %add3A_172, %exp3A_170 : vector<16xf32>
      %sub3A_174 = arith.subf %scan3A_9#30, %scan3A_9#28 : vector<16xf32>
      %exp3A_175 = math.exp %sub3A_174 : vector<16xf32>
      %add3A_176 = arith.addf %add3A_173, %exp3A_175 : vector<16xf32>
      %sub3A_177 = arith.subf %scan3A_9#31, %scan3A_9#28 : vector<16xf32>
      %exp3A_178 = math.exp %sub3A_177 : vector<16xf32>
      %add3A_179 = arith.addf %add3A_176, %exp3A_178 : vector<16xf32>
      %swap3A_180 = arith.constant 112 : index
      %swap3A_181 = tpu.vector_load %arg7[%swap3A_180] {strides = array<i32>} : memref<128xf32, #tpu.memory_space<vmem>>, vector<16xf32>,
      %swap3A_182 = vector.shape_cast %swap3A_181 : vector<16xf32> to vector<16xf32>
      %swap3A_183 = vector.shape_cast %scan3A_9#28 : vector<16xf32> to vector<16xf32>
      tpu.vector_store %arg7[%swap3A_180], %swap3A_183 {strides = array<i32>} : memref<128xf32, #tpu.memory_space<vmem>>, vector<16xf32>,
      %swap3A_184 = arith.constant 112 : index
      %swap3A_185 = tpu.vector_load %arg8[%swap3A_184] {strides = array<i32>} : memref<128xf32, #tpu.memory_space<vmem>>, vector<16xf32>,
      %swap3A_186 = vector.shape_cast %swap3A_185 : vector<16xf32> to vector<16xf32>
      %swap3A_187 = vector.shape_cast %scan3A_9#31 : vector<16xf32> to vector<16xf32>
      tpu.vector_store %arg8[%swap3A_184], %swap3A_187 {strides = array<i32>} : memref<128xf32, #tpu.memory_space<vmem>>, vector<16xf32>,
      %swap3A_188 = arith.constant 112 : index
      %swap3A_189 = tpu.vector_load %arg9[%swap3A_188] {strides = array<i32>} : memref<128xf32, #tpu.memory_space<vmem>>, vector<16xf32>,
      %swap3A_190 = vector.shape_cast %swap3A_189 : vector<16xf32> to vector<16xf32>
      %swap3A_191 = vector.shape_cast %add3A_179 : vector<16xf32> to vector<16xf32>
      tpu.vector_store %arg9[%swap3A_188], %swap3A_191 {strides = array<i32>} : memref<128xf32, #tpu.memory_space<vmem>>, vector<16xf32>,
      "tpu.region"() ({
        %run_scoped3A = tpu.sem_alloc : memref<!tpu.dma_semaphore, #tpu.memory_space<semaphore_mem>>
        %dma_start3A = tpu.memref_slice %arg3[%mul3A_4] : memref<2048xf32, #tpu.memory_space<hbm>> -> memref<128xf32, #tpu.memory_space<hbm>>
        %dma_start3A_192 = tpu.memref_slice %arg3[%mul3A_4] : memref<2048xf32, #tpu.memory_space<hbm>> -> memref<128xf32, #tpu.memory_space<hbm>>
        tpu.enqueue_dma source(%arg7 : memref<128xf32, #tpu.memory_space<vmem>>) target(%dma_start3A_192 : memref<128xf32, #tpu.memory_space<hbm>>) target_semaphore(%run_scoped3A : memref<!tpu.dma_semaphore, #tpu.memory_space<semaphore_mem>>)
        %dma_wait3A = tpu.memref_slice %arg3[%mul3A_4] : memref<2048xf32, #tpu.memory_space<hbm>> -> memref<128xf32, #tpu.memory_space<hbm>>
        %dma_wait3A_193 = tpu.memref_slice %arg3[%mul3A_4] : memref<2048xf32, #tpu.memory_space<hbm>> -> memref<128xf32, #tpu.memory_space<hbm>>
        tpu.wait_dma2 semaphore(%run_scoped3A : memref<!tpu.dma_semaphore, #tpu.memory_space<semaphore_mem>>) src(%arg7 : memref<128xf32, #tpu.memory_space<vmem>>) dst(%dma_wait3A_193 : memref<128xf32, #tpu.memory_space<hbm>>)
        tpu.yield
      }) : () -> ()
      "tpu.region"() ({
        %run_scoped3A = tpu.sem_alloc : memref<!tpu.dma_semaphore, #tpu.memory_space<semaphore_mem>>
        %dma_start3A = tpu.memref_slice %arg4[%mul3A_4] : memref<2048xf32, #tpu.memory_space<hbm>> -> memref<128xf32, #tpu.memory_space<hbm>>
        %dma_start3A_192 = tpu.memref_slice %arg4[%mul3A_4] : memref<2048xf32, #tpu.memory_space<hbm>> -> memref<128xf32, #tpu.memory_space<hbm>>
        tpu.enqueue_dma source(%arg8 : memref<128xf32, #tpu.memory_space<vmem>>) target(%dma_start3A_192 : memref<128xf32, #tpu.memory_space<hbm>>) target_semaphore(%run_scoped3A : memref<!tpu.dma_semaphore, #tpu.memory_space<semaphore_mem>>)
        %dma_wait3A = tpu.memref_slice %arg4[%mul3A_4] : memref<2048xf32, #tpu.memory_space<hbm>> -> memref<128xf32, #tpu.memory_space<hbm>>
        %dma_wait3A_193 = tpu.memref_slice %arg4[%mul3A_4] : memref<2048xf32, #tpu.memory_space<hbm>> -> memref<128xf32, #tpu.memory_space<hbm>>
        tpu.wait_dma2 semaphore(%run_scoped3A : memref<!tpu.dma_semaphore, #tpu.memory_space<semaphore_mem>>) src(%arg8 : memref<128xf32, #tpu.memory_space<vmem>>) dst(%dma_wait3A_193 : memref<128xf32, #tpu.memory_space<hbm>>)
        tpu.yield
      }) : () -> ()
      "tpu.region"() ({
        %run_scoped3A = tpu.sem_alloc : memref<!tpu.dma_semaphore, #tpu.memory_space<semaphore_mem>>
        %dma_start3A = tpu.memref_slice %arg5[%mul3A_4] : memref<2048xf32, #tpu.memory_space<hbm>> -> memref<128xf32, #tpu.memory_space<hbm>>
        %dma_start3A_192 = tpu.memref_slice %arg5[%mul3A_4] : memref<2048xf32, #tpu.memory_space<hbm>> -> memref<128xf32, #tpu.memory_space<hbm>>
        tpu.enqueue_dma source(%arg9 : memref<128xf32, #tpu.memory_space<vmem>>) target(%dma_start3A_192 : memref<128xf32, #tpu.memory_space<hbm>>) target_semaphore(%run_scoped3A : memref<!tpu.dma_semaphore, #tpu.memory_space<semaphore_mem>>)
        %dma_wait3A = tpu.memref_slice %arg5[%mul3A_4] : memref<2048xf32, #tpu.memory_space<hbm>> -> memref<128xf32, #tpu.memory_space<hbm>>
        %dma_wait3A_193 = tpu.memref_slice %arg5[%mul3A_4] : memref<2048xf32, #tpu.memory_space<hbm>> -> memref<128xf32, #tpu.memory_space<hbm>>
        tpu.wait_dma2 semaphore(%run_scoped3A : memref<!tpu.dma_semaphore, #tpu.memory_space<semaphore_mem>>) src(%arg9 : memref<128xf32, #tpu.memory_space<vmem>>) dst(%dma_wait3A_193 : memref<128xf32, #tpu.memory_space<hbm>>)
        tpu.yield
      }) : () -> ()
    } else {
    }
    return
  }
}

module attributes {stable_mosaic.version = 14 : i64} {
  func.func @_simt_body(%arg0: i32, %arg1: memref<2048x768xf32, #tpu.memory_space<vmem>>, %arg2: memref<256x32xf32, #tpu.memory_space<vmem>>, %arg3: memref<32x768xf32, #tpu.memory_space<vmem>>, %arg4: memref<256x2048xf32, #tpu.memory_space<vmem>>) attributes {dimension_semantics = [#tpu.dimension_semantics<arbitrary>], iteration_bounds = array<i64: 1>, scalar_prefetch = 0 : i64, scratch_operands = 0 : i64, tpu.core_type = #tpu.core_type<tc>, window_params = [{pipeline_mode = #tpu.pipeline_mode<synchronous>, transform_indices = @transform_0, window_bounds = array<i64: 2048, 768>}, {pipeline_mode = #tpu.pipeline_mode<synchronous>, transform_indices = @transform_1, window_bounds = array<i64: 256, 32>}, {pipeline_mode = #tpu.pipeline_mode<synchronous>, transform_indices = @transform_2, window_bounds = array<i64: 32, 768>}, {pipeline_mode = #tpu.pipeline_mode<synchronous>, transform_indices = @transform_3, window_bounds = array<i64: 256, 2048>}]} {
    %get3A = arith.constant 0 : index
    %get3A_0 = arith.constant 0 : index
    %get3A_1 = vector.load %arg3[%get3A, %get3A_0] : memref<32x768xf32, #tpu.memory_space<vmem>>, vector<32x768xf32>
    %get3A_2 = arith.constant 0 : index
    %get3A_3 = arith.constant 0 : index
    %get3A_4 = vector.load %arg1[%get3A_2, %get3A_3] : memref<2048x768xf32, #tpu.memory_space<vmem>>, vector<2048x768xf32>
    %dot_general3A = arith.constant dense<0.000000e+00> : vector<32x2048xf32>
    %dot_general3A_5 = tpu.matmul %get3A_1, %get3A_4, %dot_general3A {dimension_numbers = #tpu.dot_dimension_numbers<[1], [1], [0], [0], [0, 0, 1, 0], [], []>, transpose_lhs_hint = false} : vector<32x768xf32>, vector<2048x768xf32>, vector<32x2048xf32> -> vector<32x2048xf32>
    %get3A_6 = arith.constant 0 : index
    %get3A_7 = arith.constant 0 : index
    %get3A_8 = vector.load %arg2[%get3A_6, %get3A_7] : memref<256x32xf32, #tpu.memory_space<vmem>>, vector<256x32xf32>
    %dot_general3A_9 = arith.constant dense<0.000000e+00> : vector<256x2048xf32>
    %dot_general3A_10 = tpu.matmul %get3A_8, %dot_general3A_5, %dot_general3A_9 {dimension_numbers = #tpu.dot_dimension_numbers<[1], [0], [0], [1], [0, 0, 1, 1], [], []>, transpose_lhs_hint = false} : vector<256x32xf32>, vector<32x2048xf32>, vector<256x2048xf32> -> vector<256x2048xf32>
    %swap3A = arith.constant 0 : index
    %swap3A_11 = arith.constant 0 : index
    %swap3A_12 = vector.load %arg4[%swap3A, %swap3A_11] : memref<256x2048xf32, #tpu.memory_space<vmem>>, vector<256x2048xf32>
    tpu.vector_store %arg4[%swap3A, %swap3A_11], %dot_general3A_10 {strides = array<i32>} : memref<256x2048xf32, #tpu.memory_space<vmem>>, vector<256x2048xf32>,
    return
  }
  func.func @transform_0(%arg0: i32) -> (i32, i32) {
    %c0_i32 = arith.constant 0 : i32
    %c0_i32_0 = arith.constant 0 : i32
    %c0_i32_1 = arith.constant 0 : i32
    return %c0_i32, %c0_i32_0 : i32, i32
  }
  func.func @transform_1(%arg0: i32) -> (i32, i32) {
    %c0_i32 = arith.constant 0 : i32
    %c0_i32_0 = arith.constant 0 : i32
    %c0_i32_1 = arith.constant 0 : i32
    return %c0_i32, %c0_i32_0 : i32, i32
  }
  func.func @transform_2(%arg0: i32) -> (i32, i32) {
    %c0_i32 = arith.constant 0 : i32
    %c0_i32_0 = arith.constant 0 : i32
    %c0_i32_1 = arith.constant 0 : i32
    return %c0_i32, %c0_i32_0 : i32, i32
  }
  func.func @transform_3(%arg0: i32) -> (i32, i32) {
    %c0_i32 = arith.constant 0 : i32
    %c0_i32_0 = arith.constant 0 : i32
    %c0_i32_1 = arith.constant 0 : i32
    return %c0_i32, %c0_i32_0 : i32, i32
  }
}

module attributes {stable_mosaic.version = 14 : i64} {
  func.func @_moe_body(%arg0: i32, %arg1: i32, %arg2: memref<1024x768xf32, #tpu.memory_space<vmem>>, %arg3: memref<256x32xf32, #tpu.memory_space<vmem>>, %arg4: memref<768x1024xf32, #tpu.memory_space<vmem>>, %arg5: memref<1024x768xf32, #tpu.memory_space<vmem>>, %arg6: memref<32x768xf32, #tpu.memory_space<vmem>>, %arg7: memref<1024x1xf32, #tpu.memory_space<vmem>>, %arg8: memref<1024x1xf32, #tpu.memory_space<vmem>>, %arg9: memref<1024x1xf32, #tpu.memory_space<vmem>>, %arg10: memref<1x1xf32, #tpu.memory_space<smem>>, %arg11: memref<1024x768xf32, #tpu.memory_space<vmem>>, %arg12: memref<8x1024x32xf32, #tpu.memory_space<vmem>>) attributes {dimension_semantics = [#tpu.dimension_semantics<arbitrary>, #tpu.dimension_semantics<arbitrary>], iteration_bounds = array<i64: 2, 8>, scalar_prefetch = 0 : i64, scratch_operands = 1 : i64, tpu.core_type = #tpu.core_type<tc>, window_params = [{transform_indices = @transform_0, window_bounds = array<i64: 1024, 768>}, {pipeline_mode = #tpu.pipeline_mode<synchronous>, transform_indices = @transform_1, window_bounds = array<i64: 256, 32>}, {transform_indices = @transform_2, window_bounds = array<i64: 768, 1024>}, {transform_indices = @transform_3, window_bounds = array<i64: 1024, 768>}, {pipeline_mode = #tpu.pipeline_mode<synchronous>, transform_indices = @transform_4, window_bounds = array<i64: 32, 768>}, {transform_indices = @transform_5, window_bounds = array<i64: 1024, 1>}, {transform_indices = @transform_6, window_bounds = array<i64: 1024, 1>}, {transform_indices = @transform_7, window_bounds = array<i64: 1024, 1>}, {transform_indices = @transform_8, window_bounds = array<i64: 1, 1>}, {transform_indices = @transform_9, window_bounds = array<i64: 1024, 768>}]} {
    %eq3A = arith.constant 0 : i32
    %eq3A_0 = arith.cmpi eq, %arg1, %eq3A : i32
    %convert_element_type3A = arith.extui %eq3A_0 : i1 to i32
    %cond3A = arith.constant 0 : i32
    %cond3A_1 = arith.cmpi ne, %convert_element_type3A, %cond3A : i32
    scf.if %cond3A_1 {
      %get3A_68 = arith.constant 0 : index
      %get3A_69 = arith.constant 0 : index
      %get3A_70 = vector.load %arg2[%get3A_68, %get3A_69] : memref<1024x768xf32, #tpu.memory_space<vmem>>, vector<1024x768xf32>
      %get3A_71 = arith.constant 0 : index
      %get3A_72 = arith.constant 0 : index
      %get3A_73 = vector.load %arg6[%get3A_71, %get3A_72] : memref<32x768xf32, #tpu.memory_space<vmem>>, vector<32x768xf32>
      %dot_general3A_74 = arith.constant dense<0.000000e+00> : vector<1024x32xf32>
      %dot_general3A_75 = tpu.matmul %get3A_70, %get3A_73, %dot_general3A_74 {dimension_numbers = #tpu.dot_dimension_numbers<[1], [1], [0], [0], [0, 0, 1, 0], [], []>, transpose_lhs_hint = false} : vector<1024x768xf32>, vector<32x768xf32>, vector<1024x32xf32> -> vector<1024x32xf32>
      %get3A_76 = arith.constant 0 : index
      %get3A_77 = arith.constant 0 : index
      %get3A_78 = vector.load %arg3[%get3A_76, %get3A_77] : memref<256x32xf32, #tpu.memory_space<vmem>>, vector<256x32xf32>
      %dot_general3A_79 = arith.constant dense<0.000000e+00> : vector<1024x256xf32>
      %dot_general3A_80 = tpu.matmul %dot_general3A_75, %get3A_78, %dot_general3A_79 {dimension_numbers = #tpu.dot_dimension_numbers<[1], [1], [0], [0], [0, 0, 1, 0], [], []>, transpose_lhs_hint = false} : vector<1024x32xf32>, vector<256x32xf32>, vector<1024x256xf32> -> vector<1024x256xf32>
      %get3A_81 = arith.constant 0 : index
      %get3A_82 = arith.constant 0 : index
      %get3A_83 = vector.load %arg8[%get3A_81, %get3A_82] : memref<1024x1xf32, #tpu.memory_space<vmem>>, vector<1024x1xf32>
      %ge3A = vector.broadcast %get3A_83 : vector<1024x1xf32> to vector<1024x256xf32>
      %ge3A_84 = arith.cmpf oge, %dot_general3A_80, %ge3A : vector<1024x256xf32>
      %get3A_85 = arith.constant 0 : index
      %get3A_86 = arith.constant 0 : index
      %get3A_87 = vector.load %arg7[%get3A_85, %get3A_86] : memref<1024x1xf32, #tpu.memory_space<vmem>>, vector<1024x1xf32>
      %sub3A_88 = vector.broadcast %get3A_87 : vector<1024x1xf32> to vector<1024x256xf32>
      %sub3A_89 = arith.subf %dot_general3A_80, %sub3A_88 : vector<1024x256xf32>
      %exp3A_90 = math.exp %sub3A_89 : vector<1024x256xf32>
      %get3A_91 = arith.constant 0 : index
      %get3A_92 = arith.constant 0 : index
      %get3A_93 = vector.load %arg9[%get3A_91, %get3A_92] : memref<1024x1xf32, #tpu.memory_space<vmem>>, vector<1024x1xf32>
      %div3A_94 = vector.broadcast %get3A_93 : vector<1024x1xf32> to vector<1024x256xf32>
      %div3A_95 = arith.divf %exp3A_90, %div3A_94 : vector<1024x256xf32>
      %jit3A_96 = arith.constant 0.000000e+00 : f32
      %broadcast_in_dim3A = vector.broadcast %jit3A_96 : f32 to vector<1024x256xf32>
      %select_n3A_97 = arith.select %ge3A_84, %div3A_95, %broadcast_in_dim3A : vector<1024x256xi1>, vector<1024x256xf32>
      %slice3A = vector.extract_strided_slice %select_n3A_97 {offsets = [0, 0], sizes = [1024, 32], strides = [1, 1]} : vector<1024x256xf32> to vector<1024x32xf32>
      %swap3A = arith.constant 0 : index
      %swap3A_98 = arith.constant 0 : index
      %swap3A_99 = arith.constant 0 : index
      %swap3A_100 = vector.load %arg12[%swap3A, %swap3A_98, %swap3A_99] : memref<8x1024x32xf32, #tpu.memory_space<vmem>>, vector<1x1024x32xf32>
      %swap3A_101 = vector.shape_cast %swap3A_100 : vector<1x1024x32xf32> to vector<1024x32xf32>
      %swap3A_102 = vector.shape_cast %slice3A : vector<1024x32xf32> to vector<1x1024x32xf32>
      tpu.vector_store %arg12[%swap3A, %swap3A_98, %swap3A_99], %swap3A_102 {strides = array<i32>} : memref<8x1024x32xf32, #tpu.memory_space<vmem>>, vector<1x1024x32xf32>,
      %slice3A_103 = vector.extract_strided_slice %select_n3A_97 {offsets = [0, 32], sizes = [1024, 32], strides = [1, 1]} : vector<1024x256xf32> to vector<1024x32xf32>
      %swap3A_104 = arith.constant 1 : index
      %swap3A_105 = arith.constant 0 : index
      %swap3A_106 = arith.constant 0 : index
      %swap3A_107 = vector.load %arg12[%swap3A_104, %swap3A_105, %swap3A_106] : memref<8x1024x32xf32, #tpu.memory_space<vmem>>, vector<1x1024x32xf32>
      %swap3A_108 = vector.shape_cast %swap3A_107 : vector<1x1024x32xf32> to vector<1024x32xf32>
      %swap3A_109 = vector.shape_cast %slice3A_103 : vector<1024x32xf32> to vector<1x1024x32xf32>
      tpu.vector_store %arg12[%swap3A_104, %swap3A_105, %swap3A_106], %swap3A_109 {strides = array<i32>} : memref<8x1024x32xf32, #tpu.memory_space<vmem>>, vector<1x1024x32xf32>,
      %slice3A_110 = vector.extract_strided_slice %select_n3A_97 {offsets = [0, 64], sizes = [1024, 32], strides = [1, 1]} : vector<1024x256xf32> to vector<1024x32xf32>
      %swap3A_111 = arith.constant 2 : index
      %swap3A_112 = arith.constant 0 : index
      %swap3A_113 = arith.constant 0 : index
      %swap3A_114 = vector.load %arg12[%swap3A_111, %swap3A_112, %swap3A_113] : memref<8x1024x32xf32, #tpu.memory_space<vmem>>, vector<1x1024x32xf32>
      %swap3A_115 = vector.shape_cast %swap3A_114 : vector<1x1024x32xf32> to vector<1024x32xf32>
      %swap3A_116 = vector.shape_cast %slice3A_110 : vector<1024x32xf32> to vector<1x1024x32xf32>
      tpu.vector_store %arg12[%swap3A_111, %swap3A_112, %swap3A_113], %swap3A_116 {strides = array<i32>} : memref<8x1024x32xf32, #tpu.memory_space<vmem>>, vector<1x1024x32xf32>,
      %slice3A_117 = vector.extract_strided_slice %select_n3A_97 {offsets = [0, 96], sizes = [1024, 32], strides = [1, 1]} : vector<1024x256xf32> to vector<1024x32xf32>
      %swap3A_118 = arith.constant 3 : index
      %swap3A_119 = arith.constant 0 : index
      %swap3A_120 = arith.constant 0 : index
      %swap3A_121 = vector.load %arg12[%swap3A_118, %swap3A_119, %swap3A_120] : memref<8x1024x32xf32, #tpu.memory_space<vmem>>, vector<1x1024x32xf32>
      %swap3A_122 = vector.shape_cast %swap3A_121 : vector<1x1024x32xf32> to vector<1024x32xf32>
      %swap3A_123 = vector.shape_cast %slice3A_117 : vector<1024x32xf32> to vector<1x1024x32xf32>
      tpu.vector_store %arg12[%swap3A_118, %swap3A_119, %swap3A_120], %swap3A_123 {strides = array<i32>} : memref<8x1024x32xf32, #tpu.memory_space<vmem>>, vector<1x1024x32xf32>,
      %slice3A_124 = vector.extract_strided_slice %select_n3A_97 {offsets = [0, 128], sizes = [1024, 32], strides = [1, 1]} : vector<1024x256xf32> to vector<1024x32xf32>
      %swap3A_125 = arith.constant 4 : index
      %swap3A_126 = arith.constant 0 : index
      %swap3A_127 = arith.constant 0 : index
      %swap3A_128 = vector.load %arg12[%swap3A_125, %swap3A_126, %swap3A_127] : memref<8x1024x32xf32, #tpu.memory_space<vmem>>, vector<1x1024x32xf32>
      %swap3A_129 = vector.shape_cast %swap3A_128 : vector<1x1024x32xf32> to vector<1024x32xf32>
      %swap3A_130 = vector.shape_cast %slice3A_124 : vector<1024x32xf32> to vector<1x1024x32xf32>
      tpu.vector_store %arg12[%swap3A_125, %swap3A_126, %swap3A_127], %swap3A_130 {strides = array<i32>} : memref<8x1024x32xf32, #tpu.memory_space<vmem>>, vector<1x1024x32xf32>,
      %slice3A_131 = vector.extract_strided_slice %select_n3A_97 {offsets = [0, 160], sizes = [1024, 32], strides = [1, 1]} : vector<1024x256xf32> to vector<1024x32xf32>
      %swap3A_132 = arith.constant 5 : index
      %swap3A_133 = arith.constant 0 : index
      %swap3A_134 = arith.constant 0 : index
      %swap3A_135 = vector.load %arg12[%swap3A_132, %swap3A_133, %swap3A_134] : memref<8x1024x32xf32, #tpu.memory_space<vmem>>, vector<1x1024x32xf32>
      %swap3A_136 = vector.shape_cast %swap3A_135 : vector<1x1024x32xf32> to vector<1024x32xf32>
      %swap3A_137 = vector.shape_cast %slice3A_131 : vector<1024x32xf32> to vector<1x1024x32xf32>
      tpu.vector_store %arg12[%swap3A_132, %swap3A_133, %swap3A_134], %swap3A_137 {strides = array<i32>} : memref<8x1024x32xf32, #tpu.memory_space<vmem>>, vector<1x1024x32xf32>,
      %slice3A_138 = vector.extract_strided_slice %select_n3A_97 {offsets = [0, 192], sizes = [1024, 32], strides = [1, 1]} : vector<1024x256xf32> to vector<1024x32xf32>
      %swap3A_139 = arith.constant 6 : index
      %swap3A_140 = arith.constant 0 : index
      %swap3A_141 = arith.constant 0 : index
      %swap3A_142 = vector.load %arg12[%swap3A_139, %swap3A_140, %swap3A_141] : memref<8x1024x32xf32, #tpu.memory_space<vmem>>, vector<1x1024x32xf32>
      %swap3A_143 = vector.shape_cast %swap3A_142 : vector<1x1024x32xf32> to vector<1024x32xf32>
      %swap3A_144 = vector.shape_cast %slice3A_138 : vector<1024x32xf32> to vector<1x1024x32xf32>
      tpu.vector_store %arg12[%swap3A_139, %swap3A_140, %swap3A_141], %swap3A_144 {strides = array<i32>} : memref<8x1024x32xf32, #tpu.memory_space<vmem>>, vector<1x1024x32xf32>,
      %slice3A_145 = vector.extract_strided_slice %select_n3A_97 {offsets = [0, 224], sizes = [1024, 32], strides = [1, 1]} : vector<1024x256xf32> to vector<1024x32xf32>
      %swap3A_146 = arith.constant 7 : index
      %swap3A_147 = arith.constant 0 : index
      %swap3A_148 = arith.constant 0 : index
      %swap3A_149 = vector.load %arg12[%swap3A_146, %swap3A_147, %swap3A_148] : memref<8x1024x32xf32, #tpu.memory_space<vmem>>, vector<1x1024x32xf32>
      %swap3A_150 = vector.shape_cast %swap3A_149 : vector<1x1024x32xf32> to vector<1024x32xf32>
      %swap3A_151 = vector.shape_cast %slice3A_145 : vector<1024x32xf32> to vector<1x1024x32xf32>
      tpu.vector_store %arg12[%swap3A_146, %swap3A_147, %swap3A_148], %swap3A_151 {strides = array<i32>} : memref<8x1024x32xf32, #tpu.memory_space<vmem>>, vector<1x1024x32xf32>,
    } else {
    }
    %iota3A = tpu.iota {dimensions = array<i32: 0>} : vector<32x1024xi32>
    %iota3A_2 = tpu.iota {dimensions = array<i32: 1>} : vector<32x1024xi32>
    %jit3A = arith.constant 32 : i32
    %div3A = vector.broadcast %jit3A : i32 to vector<32x1024xi32>
    %div3A_3 = arith.divsi %iota3A_2, %div3A : vector<32x1024xi32>
    %sign3A = arith.constant 0 : i32
    %sign3A_4 = vector.broadcast %sign3A : i32 to vector<32x1024xi32>
    %sign3A_5 = arith.cmpi sgt, %iota3A_2, %sign3A_4 : vector<32x1024xi32>
    %sign3A_6 = arith.extui %sign3A_5 : vector<32x1024xi1> to vector<32x1024xi32>
    %sign3A_7 = arith.constant 0 : i32
    %sign3A_8 = vector.broadcast %sign3A_7 : i32 to vector<32x1024xi32>
    %sign3A_9 = arith.cmpi slt, %iota3A_2, %sign3A_8 : vector<32x1024xi32>
    %sign3A_10 = arith.extui %sign3A_9 : vector<32x1024xi1> to vector<32x1024xi32>
    %sign3A_11 = arith.subi %sign3A_6, %sign3A_10 : vector<32x1024xi32>
    %sign3A_12 = arith.constant 0 : i32
    %sign3A_13 = arith.cmpi sgt, %jit3A, %sign3A_12 : i32
    %sign3A_14 = arith.extui %sign3A_13 : i1 to i32
    %sign3A_15 = arith.constant 0 : i32
    %sign3A_16 = arith.cmpi slt, %jit3A, %sign3A_15 : i32
    %sign3A_17 = arith.extui %sign3A_16 : i1 to i32
    %sign3A_18 = arith.subi %sign3A_14, %sign3A_17 : i32
    %ne3A = vector.broadcast %sign3A_18 : i32 to vector<32x1024xi32>
    %ne3A_19 = arith.cmpi ne, %sign3A_11, %ne3A : vector<32x1024xi32>
    %rem3A = vector.broadcast %jit3A : i32 to vector<32x1024xi32>
    %rem3A_20 = arith.remsi %iota3A_2, %rem3A : vector<32x1024xi32>
    %ne3A_21 = arith.constant 0 : i32
    %ne3A_22 = vector.broadcast %ne3A_21 : i32 to vector<32x1024xi32>
    %ne3A_23 = arith.cmpi ne, %rem3A_20, %ne3A_22 : vector<32x1024xi32>
    %and3A = arith.andi %ne3A_19, %ne3A_23 : vector<32x1024xi1>
    %sub3A = arith.constant 1 : i32
    %sub3A_24 = vector.broadcast %sub3A : i32 to vector<32x1024xi32>
    %sub3A_25 = arith.subi %div3A_3, %sub3A_24 : vector<32x1024xi32>
    %select_n3A = arith.select %and3A, %sub3A_25, %div3A_3 : vector<32x1024xi1>, vector<32x1024xi32>
    %eq3A_26 = arith.cmpi eq, %iota3A, %select_n3A : vector<32x1024xi32>
    %convert_element_type3A_27 = arith.extui %eq3A_26 : vector<32x1024xi1> to vector<32x1024xi32>
    %convert_element_type3A_28 = arith.sitofp %convert_element_type3A_27 : vector<32x1024xi32> to vector<32x1024xf32>
    %get3A = arith.index_cast %arg1 : i32 to index
    %get3A_29 = arith.constant 0 : index
    %get3A_30 = arith.constant 0 : index
    %get3A_31 = vector.load %arg12[%get3A, %get3A_29, %get3A_30] : memref<8x1024x32xf32, #tpu.memory_space<vmem>>, vector<1x1024x32xf32>
    %get3A_32 = vector.shape_cast %get3A_31 : vector<1x1024x32xf32> to vector<1024x32xf32>
    %dot_general3A = arith.constant dense<0.000000e+00> : vector<1024x1024xf32>
    %dot_general3A_33 = tpu.matmul %get3A_32, %convert_element_type3A_28, %dot_general3A {dimension_numbers = #tpu.dot_dimension_numbers<[1], [0], [0], [1], [0, 0, 1, 1], [], []>, transpose_lhs_hint = false} : vector<1024x32xf32>, vector<32x1024xf32>, vector<1024x1024xf32> -> vector<1024x1024xf32>
    %get3A_34 = arith.constant 0 : index
    %get3A_35 = arith.constant 0 : index
    %get3A_36 = vector.load %arg2[%get3A_34, %get3A_35] : memref<1024x768xf32, #tpu.memory_space<vmem>>, vector<1024x768xf32>
    %get3A_37 = arith.constant 0 : index
    %get3A_38 = arith.constant 0 : index
    %get3A_39 = vector.load %arg4[%get3A_37, %get3A_38] : memref<768x1024xf32, #tpu.memory_space<vmem>>, vector<768x1024xf32>
    %dot_general3A_40 = arith.constant dense<0.000000e+00> : vector<1024x1024xf32>
    %dot_general3A_41 = tpu.matmul %get3A_36, %get3A_39, %dot_general3A_40 {dimension_numbers = #tpu.dot_dimension_numbers<[1], [0], [0], [1], [0, 0, 1, 1], [], []>, transpose_lhs_hint = false} : vector<1024x768xf32>, vector<768x1024xf32>, vector<1024x1024xf32> -> vector<1024x1024xf32>
    %neg3A = arith.constant 0.000000e+00 : f32
    %neg3A_42 = vector.broadcast %neg3A : f32 to vector<1024x1024xf32>
    %neg3A_43 = arith.subf %neg3A_42, %dot_general3A_41 : vector<1024x1024xf32>
    %exp3A = math.exp %neg3A_43 : vector<1024x1024xf32>
    %add3A = arith.constant 1.000000e+00 : f32
    %add3A_44 = vector.broadcast %add3A : f32 to vector<1024x1024xf32>
    %add3A_45 = arith.addf %add3A_44, %exp3A : vector<1024x1024xf32>
    %div3A_46 = arith.constant 1.000000e+00 : f32
    %div3A_47 = vector.broadcast %div3A_46 : f32 to vector<1024x1024xf32>
    %div3A_48 = arith.divf %div3A_47, %add3A_45 : vector<1024x1024xf32>
    %mul3A = arith.mulf %dot_general3A_41, %div3A_48 : vector<1024x1024xf32>
    %mul3A_49 = arith.mulf %dot_general3A_33, %mul3A : vector<1024x1024xf32>
    %get3A_50 = arith.constant 0 : index
    %get3A_51 = arith.constant 0 : index
    %get3A_52 = vector.load %arg5[%get3A_50, %get3A_51] : memref<1024x768xf32, #tpu.memory_space<vmem>>, vector<1024x768xf32>
    %dot_general3A_53 = arith.constant dense<0.000000e+00> : vector<1024x768xf32>
    %dot_general3A_54 = tpu.matmul %mul3A_49, %get3A_52, %dot_general3A_53 {dimension_numbers = #tpu.dot_dimension_numbers<[1], [0], [0], [1], [0, 0, 1, 1], [], []>, transpose_lhs_hint = false} : vector<1024x1024xf32>, vector<1024x768xf32>, vector<1024x768xf32> -> vector<1024x768xf32>
    %get3A_55 = arith.constant 0 : index
    %get3A_56 = arith.constant 0 : index
    %get3A_57 = memref.load %arg10[%get3A_55, %get3A_56] : memref<1x1xf32, #tpu.memory_space<smem>>
    %eq3A_58 = arith.constant 0 : i32
    %eq3A_59 = arith.cmpi eq, %arg1, %eq3A_58 : i32
    %convert_element_type3A_60 = arith.extui %eq3A_59 : i1 to i32
    %cond3A_61 = arith.constant 0 : i32
    %cond3A_62 = arith.cmpi ne, %convert_element_type3A_60, %cond3A_61 : i32
    scf.if %cond3A_62 {
      %get3A_68 = arith.constant 0 : index
      %get3A_69 = arith.constant 0 : index
      %get3A_70 = vector.load %arg2[%get3A_68, %get3A_69] : memref<1024x768xf32, #tpu.memory_space<vmem>>, vector<1024x768xf32>
      %mul3A_71 = vector.broadcast %get3A_57 : f32 to vector<1024x768xf32>
      %mul3A_72 = arith.mulf %mul3A_71, %dot_general3A_54 : vector<1024x768xf32>
      %add3A_73 = arith.addf %get3A_70, %mul3A_72 : vector<1024x768xf32>
      %swap3A = arith.constant 0 : index
      %swap3A_74 = arith.constant 0 : index
      %swap3A_75 = vector.load %arg11[%swap3A, %swap3A_74] : memref<1024x768xf32, #tpu.memory_space<vmem>>, vector<1024x768xf32>
      tpu.vector_store %arg11[%swap3A, %swap3A_74], %add3A_73 {strides = array<i32>} : memref<1024x768xf32, #tpu.memory_space<vmem>>, vector<1024x768xf32>,
    } else {
    }
    %ne3A_63 = arith.constant 0 : i32
    %ne3A_64 = arith.cmpi ne, %arg1, %ne3A_63 : i32
    %convert_element_type3A_65 = arith.extui %ne3A_64 : i1 to i32
    %cond3A_66 = arith.constant 0 : i32
    %cond3A_67 = arith.cmpi ne, %convert_element_type3A_65, %cond3A_66 : i32
    scf.if %cond3A_67 {
      %get3A_68 = arith.constant 0 : index
      %get3A_69 = arith.constant 0 : index
      %get3A_70 = vector.load %arg11[%get3A_68, %get3A_69] : memref<1024x768xf32, #tpu.memory_space<vmem>>, vector<1024x768xf32>
      %mul3A_71 = vector.broadcast %get3A_57 : f32 to vector<1024x768xf32>
      %mul3A_72 = arith.mulf %mul3A_71, %dot_general3A_54 : vector<1024x768xf32>
      %add3A_73 = arith.addf %get3A_70, %mul3A_72 : vector<1024x768xf32>
      %swap3A = arith.constant 0 : index
      %swap3A_74 = arith.constant 0 : index
      %swap3A_75 = vector.load %arg11[%swap3A, %swap3A_74] : memref<1024x768xf32, #tpu.memory_space<vmem>>, vector<1024x768xf32>
      tpu.vector_store %arg11[%swap3A, %swap3A_74], %add3A_73 {strides = array<i32>} : memref<1024x768xf32, #tpu.memory_space<vmem>>, vector<1024x768xf32>,
    } else {
    }
    return
  }
  func.func @transform_0(%arg0: i32, %arg1: i32) -> (i32, i32) {
    %c0_i32 = arith.constant 0 : i32
    %c0_i32_0 = arith.constant 0 : i32
    return %arg0, %c0_i32 : i32, i32
  }
  func.func @transform_1(%arg0: i32, %arg1: i32) -> (i32, i32) {
    %c0_i32 = arith.constant 0 : i32
    %c0_i32_0 = arith.constant 0 : i32
    %c0_i32_1 = arith.constant 0 : i32
    return %c0_i32, %c0_i32_0 : i32, i32
  }
  func.func @transform_2(%arg0: i32, %arg1: i32) -> (i32, i32) {
    %c0_i32 = arith.constant 0 : i32
    %c0_i32_0 = arith.constant 0 : i32
    return %c0_i32, %arg1 : i32, i32
  }
  func.func @transform_3(%arg0: i32, %arg1: i32) -> (i32, i32) {
    %c0_i32 = arith.constant 0 : i32
    %c0_i32_0 = arith.constant 0 : i32
    return %arg1, %c0_i32 : i32, i32
  }
  func.func @transform_4(%arg0: i32, %arg1: i32) -> (i32, i32) {
    %c0_i32 = arith.constant 0 : i32
    %c0_i32_0 = arith.constant 0 : i32
    %c0_i32_1 = arith.constant 0 : i32
    return %c0_i32, %c0_i32_0 : i32, i32
  }
  func.func @transform_5(%arg0: i32, %arg1: i32) -> (i32, i32) {
    %c0_i32 = arith.constant 0 : i32
    %c0_i32_0 = arith.constant 0 : i32
    return %arg0, %c0_i32 : i32, i32
  }
  func.func @transform_6(%arg0: i32, %arg1: i32) -> (i32, i32) {
    %c0_i32 = arith.constant 0 : i32
    %c0_i32_0 = arith.constant 0 : i32
    return %arg0, %c0_i32 : i32, i32
  }
  func.func @transform_7(%arg0: i32, %arg1: i32) -> (i32, i32) {
    %c0_i32 = arith.constant 0 : i32
    %c0_i32_0 = arith.constant 0 : i32
    return %arg0, %c0_i32 : i32, i32
  }
  func.func @transform_8(%arg0: i32, %arg1: i32) -> (i32, i32) {
    %c0_i32 = arith.constant 0 : i32
    %c0_i32_0 = arith.constant 0 : i32
    %c0_i32_1 = arith.constant 0 : i32
    return %c0_i32, %c0_i32_0 : i32, i32
  }
  func.func @transform_9(%arg0: i32, %arg1: i32) -> (i32, i32) {
    %c0_i32 = arith.constant 0 : i32
    %c0_i32_0 = arith.constant 0 : i32
    return %arg0, %c0_i32 : i32, i32
  }
}

</mosaic_0001>

<sc_bundles>
// kernel: kernel.5.cloned.1.call-start
scs
__scs_entry_jumppad:
0x0: {  	(pc) =	sbr.rel $0x88, $3  }
0x1: {  	(tag) =	ssettag $0x0;
	lr =	simm.s32 $0x1  }
0x2: {  	[smem:$0x3F9B] =	sst lr;
	_ =	strace $0xD0000000  }
0x3: {  	_ = 	snop  }
0x4: {  	_ = 	snop  }
0x5: {  	_ = 	snop  }
0x6: {  	_ = 	snop  }
0x7: {  	_ = 	snop  }
__scs_overlays_trampoline_lowered:
0x8: {  	[smem:$0x3FAA] =	sst s0  }
0x9: {  	[smem:$0x3FAB] =	sst s1  }
0xa: {  	[smem:$0x3FAC] =	sst s2  }
0xb: {  	[smem:$0x3FAD] =	sst s3  }
0xc: {  	[smem:$0x3FAE] =	sst s4  }
0xd: {  	[smem:$0x3FAF] =	sst s5  }
0xe: {  	[smem:$0x3FB0] =	sst s6  }
0xf: {  	[smem:$0x3FB1] =	sst s7  }
0x10: {  	[smem:$0x3FB2] =	sst s8  }
0x11: {  	[smem:$0x3FB3] =	sst s9;
	s0 =	simm.s32 @!p0 $0x0  }
0x12: {  	s1 =	sld [smem:$0x3F99];
	s0 =	simm.s32 @p0 $0x1  }
0x13: {  	[smem:$0x3FB4] =	sst s0;
	s0 =	simm.s32 @!p1 $0x0  }
0x14: {  	s2 =	sld [smem:$0x3F98];
	s0 =	simm.s32 @p1 $0x1  }
0x15: {  	[smem:$0x3FB5] =	sst s0;
	s0 =	simm.s32 @!p2 $0x0  }
0x16: {  	s3 =	sld [smem:$0x3FDB];
	s0 =	simm.s32 @p2 $0x1  }
0x17: {  	s4 =	simm.s32 $0x1BF5;
	[smem:$0x3FB7] =	sst s0  }
0x18: {  	s0 =	sld [smem:$0x3F9A];
	_ =	swait.ge [sflag:s4], $0x0  }
0x19: {  	s7 =	sld [smem:$0x3F9B]  }
0x1a: {  	s8 =	sadd.s32 $0xFFFFE003, lr  }
0x1b: {  	s9 =	sadd.s32 $0xFFFFFEF7, lr;
	s5 =	simm.s32 $0xFFFFFFFF;
	p2 =	slt.u32 s8, $0xFFFFF086  }
0x1c: {  	p1 =	slt.u32 s9, $0xF7A;
	s5 =	simm.s32 @!p2 $0x0  }
0x1d: {  	s5 =	simm.s32 @p1 $0x1;
	p0 =	seq.s32 s7, s2  }
0x1e: {  	s7 =	smul.u32 @!p0 $0xF7A, s2;
	p2 =	seq.s32 @!p0 s5, $0x0  }
0x1f: {  	s9 =	smul.u32 $0xF7A, s1;
	s8 =	simm.s32 @!p0 $0x1BF5;
	p2 =	por !p2, p0  }
0x20: {  	[sflag:s8] =	ssyncset.s32 @!p0 $0xFFFFF086;
	s6 =	sadd.s32 @!p0 s3, s7;
	s7 =	simm.s32 @!p0 $0x108  }
0x21: {  	s3 =	sadd.s32 s3, s9;
	s6 =	sadd.s32 @!p0 $0x88, s6;
	s7 =	simm.s32 @p2 $0x1082  }
0x22: {  	[simem:s7], [sflag:s8] =	dma.local @!p0 [hbm:s6], $0xF7A  }
0x23: {  	s9 =	sor.u32 $0xD0000000, s2;
	s6 =	simm.s32 $0x108;
	_ =	swait.ge @!p0 [sflag:s8], $0x0  }
0x24: {  	s3 =	sadd.s32 $0x88, s3;
	s6 =	simm.s32 @!p1 $0x1082;
	[sflag:s4] =	ssyncset.s32 $0xFFFFF086  }
0x25: {  	[simem:s6], [sflag:s4] =	dma.local [hbm:s3], $0xF7A  }
0x26: {  	[smem:$0x3F9B] =	sst s1;
	(tag) =	ssettag s2;
	_ =	strace s9  }
0x27: {  	s1 =	sld [smem:$0x3FAB]  }
0x28: {  	s2 =	sld [smem:$0x3FAC]  }
0x29: {  	s4 =	sld [smem:$0x3FAE]  }
0x2a: {  	p0 =	seq.s32 s5, $0x0;
	s5 =	sld [smem:$0x3FAF]  }
0x2b: {  	s6 =	sld [smem:$0x3FB0]  }
0x2c: {  	s7 =	sld [smem:$0x3FB1]  }
0x2d: {  	s3 =	simm.s32 $0x108;
	s8 =	sld [smem:$0x3FB2]  }
0x2e: {  	s3 =	simm.s32 @!p0 $0x1082;
	s9 =	sld [smem:$0x3FB3]  }
0x2f: {  	lr =	sadd.s32 s0, s3;
	s0 =	sld [smem:$0x3FAA]  }
0x30: {  	s3 =	sld [smem:$0x3FAD]  }
0x31: {  	[smem:$0x3FB6] =	sst s10  }
0x32: {  	s10 =	sld [smem:$0x3FB4];
	_ =	sdelay $0x3  }
0x33: {  	p0 =	seq.s32 s10, $0x1;
	s10 =	sld [smem:$0x3FB6];
	_ =	sdelay $0x3  }
0x34: {  	[smem:$0x3FB6] =	sst s10  }
0x35: {  	s10 =	sld [smem:$0x3FB5];
	_ =	sdelay $0x3  }
0x36: {  	p1 =	seq.s32 s10, $0x1;
	s10 =	sld [smem:$0x3FB6];
	_ =	sdelay $0x3  }
0x37: {  	[smem:$0x3FB6] =	sst s10  }
0x38: {  	s10 =	sld [smem:$0x3FB7]  }
0x39: {  	_ = 	snop;
	(pc) =	sbr.ind lr, $3  }
0x3a: {  	_ = 	snop  }
0x3b: {  	_ = 	snop  }
0x3c: {  	p2 =	seq.s32 s10, $0x1;
	s10 =	sld [smem:$0x3FB6]  }
0x3d: {  	_ =	shalt  }
0x3e: {  	_ =	shalt  }
0x3f: {  	_ =	shalt  }
0x40: {  	_ =	shalt  }
0x41: {  	_ =	shalt  }
0x42: {  	_ =	shalt  }
0x43: {  	_ =	shalt  }
0x44: {  	_ =	shalt  }
0x45: {  	_ =	shalt  }
0x46: {  	_ =	shalt  }
0x47: {  	_ =	shalt  }
0x48: {  	_ =	shalt  }
0x49: {  	_ =	shalt  }
0x4a: {  	_ =	shalt  }
0x4b: {  	_ =	shalt  }
0x4c: {  	_ =	shalt  }
0x4d: {  	_ =	shalt  }
0x4e: {  	_ =	shalt  }
0x4f: {  	_ =	shalt  }
0x50: {  	_ =	shalt  }
0x51: {  	_ =	shalt  }
0x52: {  	_ =	shalt  }
0x53: {  	_ =	shalt  }
0x54: {  	_ =	shalt  }
0x55: {  	_ =	shalt  }
0x56: {  	_ =	shalt  }
0x57: {  	_ =	shalt  }
0x58: {  	_ =	shalt  }
0x59: {  	_ =	shalt  }
0x5a: {  	_ =	shalt  }
0x5b: {  	_ =	shalt  }
0x5c: {  	_ =	shalt  }
0x5d: {  	_ =	shalt  }
0x5e: {  	_ =	shalt  }
0x5f: {  	_ =	shalt  }
0x60: {  	_ =	shalt  }
0x61: {  	_ =	shalt  }
0x62: {  	_ =	shalt  }
0x63: {  	_ =	shalt  }
0x64: {  	_ =	shalt  }
0x65: {  	_ =	shalt  }
0x66: {  	_ =	shalt  }
0x67: {  	_ =	shalt  }
0x68: {  	_ =	shalt  }
0x69: {  	_ =	shalt  }
0x6a: {  	_ =	shalt  }
0x6b: {  	_ =	shalt  }
0x6c: {  	_ =	shalt  }
0x6d: {  	_ =	shalt  }
0x6e: {  	_ =	shalt  }
0x6f: {  	_ =	shalt  }
0x70: {  	_ =	shalt  }
0x71: {  	_ =	shalt  }
0x72: {  	_ =	shalt  }
0x73: {  	_ =	shalt  }
0x74: {  	_ =	shalt  }
0x75: {  	_ =	shalt  }
0x76: {  	_ =	shalt  }
0x77: {  	_ =	shalt  }
0x78: {  	_ =	shalt  }
0x79: {  	_ =	shalt  }
0x7a: {  	_ =	shalt  }
0x7b: {  	_ =	shalt  }
0x7c: {  	_ =	shalt  }
0x7d: {  	_ =	shalt  }
0x7e: {  	_ =	shalt  }
0x7f: {  	_ =	shalt  }
0x80: {  	_ =	shalt  }
0x81: {  	_ =	shalt  }
0x82: {  	_ =	shalt  }
0x83: {  	_ =	shalt  }
0x84: {  	_ =	shalt  }
0x85: {  	_ =	shalt  }
0x86: {  	_ =	shalt  }
0x87: {  	_ =	shalt  }
.Lfunc_end0:
.L_simem_size_0:
called_computation_lowered:
.L_overlay_start_0:
0x88: {  	s2 =	sld [smem:$0x3FD9]  }
0x89: {  	s3 =	sld [smem:$0x3FFE];
	_ =	sdelay $0x1  }
0x8a: {  	s1 =	srdreg.scid  }
0x8b: {  	s0 =	sand.u32 $0x1, s1  }
0x8c: {  	s17 =	sshll.u32 s0, $0xA;
	s2 =	sadd.s32 s3, s2  }
0x8d: {  	s2 =	sadd.s32 s2, s17  }
0x8e: {  	[smem:$0x3FC2] =	sst s2  }
0x8f: {  	_ = 	snop  }
0x90: {  	s2 =	sld [smem:$0x3FD0];
	(tm) =	ssettm $0x1  }
0x91: {  	s18 =	sld [smem:$0x3FFB];
	_ =	sdelay $0x3  }
0x92: {  	_ =	strace s18  }
0x93: {  	s3 =	sld [smem:$0x3FFC];
	_ =	sdelay $0x3  }
0x94: {  	_ =	strace s3  }
0x95: {  	s3 =	sld [smem:$0x3FFD];
	_ =	sdelay $0x3  }
0x96: {  	_ =	strace s3  }
0x97: {  	_ =	strace $0x8FFFFFFF  }
0x98: {  	s19 =	sld [smem:$0x3FDB];
	_ =	sdelay $0x1  }
0x99: {  	s4 =	simm.s32 $_scs_section_size  }
0x9a: {  	s5 =	simm.s32 $_size__tile_overlayer_lowered;
	s6 =	simm.s32 $_tile_overlayer_lowered  }
0x9b: {  	s22 =	simm.s32 $0x1BFF;
	s21 =	sshll.u32 s6, $0x1;
	s3 =	sadd.s32 s4, s19  }
0x9c: {  	s7 =	simm.s32 $0x0;
	s20 =	sshll.u32 s5, $0x1;
	s5 =	sadd.s32 s21, s3  }
0x9d: {  	[timem:s7], [sflag:s22] =	dma.local [hbm:s5], s20  }
0x9e: {  	_ =	swait.ge [sflag:s22], s20  }
0x9f: {  	s4 =	ssub.s32 $0x0, s20;
	[sflag:s22] =	ssyncset.done $0x0  }
0xa0: {  	[sflag:s22] =	ssyncadd.s32 s4;
	_ =	sdelay $0x1  }
0xa1: {  	s23 =	simm.s32 $0x1B8B  }
0xa2: {  	_ =	swait.ge [sflag:s23], $0x1  }
0xa3: {  	[sflag:s23] =	ssyncset.done $0x0  }
0xa4: {  	s25 =	simm.s32 $0x1B8E;
	s24 =	sld [smem:$0x3FFE];
	[sflag:s23] =	ssyncadd.s32 $0xFFFFFFFF  }
0xa5: {  	s26 =	simm.s32 $execute0_lowered;
	[smem:$0x3FD2] =	sst s25  }
0xa6: {  	s5 =	sshll.u32 s26, $0x1;
	_ =	strace $0x80000046;
	[dreg:$0x1] =	wrdreg $0xFFFFFFFF  }
0xa7: {  	s28 =	simm.s32 $_size_execute0_lowered;
	s3 =	sadd.s32 s3, s5;
	[dreg:$0x0] =	wrdreg $0x0  }
0xa8: {  	s5 =	sshll.u32 s28, $0x1;
	[dreg:$0x2] =	wrdreg s3  }
0xa9: {  	[dreg:$0x3] =	wrdreg s5  }
0xaa: {  	[dreg:$0x4] =	wrdreg $0xC0  }
0xab: {  	_ =	task [dreg:s7], $0x5FFFF  }
0xac: {  	[dreg:$0x1] =	wrdreg $0xFFFFFFFF  }
0xad: {  	[dreg:$0x0] =	wrdreg $0x60  }
0xae: {  	[dreg:$0x2] =	wrdreg s2  }
0xaf: {  	[dreg:$0x3] =	wrdreg s24  }
0xb0: {  	[dreg:$0x4] =	wrdreg $0x9  }
0xb1: {  	_ =	task.clear_ibuf [dreg:s7], $0x5FFFF;
	_ =	strace $0x90000046  }
0xb2: {  	s29 =	simm.s32 $0x9;
	_ =	strace $0x80000048  }
0xb3: {  	_ =	swait.ge [sflag:s29], $0x1  }
0xb4: {  	[sflag:s29] =	ssyncadd.s32 $0xFFFFFFFF  }
0xb5: {  	_ =	strace $0x90000048  }
0xb6: {  	_ =	sfence  }
0xb7: {  	s30 =	sld [smem:$0x0];
	_ =	sdelay $0x2  }
0xb8: {  	s31 =	sshll.u32 s1, $0xD;
	s1 =	sshrl.u32 s1, $0x2  }
0xb9: {  	s3 =	sand.u32 $0x4000, s31;
	s1 =	sadd.s32 s1, s30  }
0xba: {  	s0 =	sor.u32 s3, s0;
	s1 =	sshll.u32 s1, $0x11  }
0xbb: {  	s0 =	sor.u32 s1, s0  }
0xbc: {  	s0 =	sadd.s32 $0x8F2B, s0  }
0xbd: {  	[sflag:s0] =	ssyncadd.remote.s32 $0x1  }
0xbe: {  	_ =	sfence.sel $0xFFFF  }
0xbf: {  	[dreg:$0x0] =	wrdreg $0xFFFFFFFF;
	(pc) =	sbr.abs _section_cstart, $3  }
0xc0: {  	[dreg:$0x1] =	wrdreg $0xFFFFFFFF  }
0xc1: {  	_ =	task.clear_ibuf [dreg:s7], $0x2FFFF;
	_ =	strace $0x9FFFFFFF  }
0xc2: {  	(tm) =	ssettm $0x7FFFFFFF  }
0xc3: {  	_ =	shalt  }
tec
execute0_lowered:
.L_overlay_start_1:
0x0: {  	(tag) =	ssettag $0x1  }
0x1: {  	s1 =	stileid.u32  }
0x2: {  	p0 =	sgt.u32 s1, $0x7  }
.Ltmp0:
0x3: {  	_ = 	snop;
	(pc) =	sbr.rel @p0 .LBB2_5-.Ltmp0, $4  }
0x4: {  	s6 =	rddreg [dreg:$0x0]  }
0x5: {  	s3 =	rddreg [dreg:$0x1];
	s2 =	simm.s32 $0x0  }
0x6: {  	[smem:$0x7FF] =	sst s2  }
0x7: {  	s0 =	rddreg [dreg:$0x2];
	_ =	strace $0x80000047  }
0x8: {  	s4 =	srdreg.scid  }
0x9: {  	s5 =	sshll.u32 s1, $0x1;
	s10 =	simm.s32 $0x1;
	s11 =	simm.s32 $0x8000  }
0xa: {  	s12 =	simm.s32 $0x8080;
	s13 =	simm.s32 $0x8100;
	s4 =	sand.u32 $0x1, s4  }
0xb: {  	s14 =	simm.s32 $0x0;
	s7 =	sor.u32 s4, s5;
	s8 =	ssub.s32 $0x2, s4  }
0xc: {  	s5 =	sshll.u32 s7, $0x4;
	s9 =	sshrl.u32 s8, $0x1;
	s7 =	sshll.u32 s7, $0x7  }
0xd: {  	s5 =	sadd.s32 s5, s3;
	s8 =	ssub.s32 s8, s9;
	s6 =	sadd.s32 s6, s7  }
0xe: {  	s9 =	simm.s32 $0x4000;
	s3 =	sadd.s32 $0x1A00, s5;
	s4 =	sadd.s32 $0x1800, s5  }
0xf: {  	s5 =	sadd.s32 $0x1C00, s5;
	s7 =	smax.u32 s8, $0x1;
	s8 =	simm.s32 $0x400  }
.LBB2_2:
0x10: {  	s15 =	simm.s32 $0x0  }
0x11: {  	[tilespmem:s15], [sflag:$0x1] =	stream.strided.gather [hbm4b:s6+s8], $0x8000, s9, s8, $0x38;
	[tilespmem:$0x8180] =	vst v63  }
0x12: {  	_ =	swait.ge [sflag:s10], $0x8000  }
0x13: {  	[sflag:s10] =	ssyncset.done $0x0  }
0x14: {  	s31 =	simm.s32 $0x0;
	[sflag:s10] =	ssyncadd.s32 $0xFFFF8000  }
0x15: {  	v9 =	vld [tilespmem:s31+$0xF0]  }
0x16: {  	v3 =	vld [tilespmem:s31+$0xE0]  }
0x17: {  	v0 =	vld [tilespmem:s31+$0x70]  }
0x18: {  	v1 =	vld [tilespmem:s31+$0x60]  }
0x19: {  	v4 =	vld [tilespmem:s31+$0x10]  }
0x1a: {  	v5 =	vld [tilespmem:s31+$0x40]  }
0x1b: {  	v6 =	vld [tilespmem:s31+$0x0]  }
0x1c: {  	v10 =	vld [tilespmem:s31+$0x20]  }
0x1d: {  	v12 =	vimm.f32 $-1.000000020e+30;
	v7 =	vld [tilespmem:s31+$0x30]  }
0x1e: {  	v33 =	vld [tilespmem:s31+$0x50];
	v19 =	vmax.f32 v12, v0;
	v8 =	vmin.f32 v12, v0  }
0x1f: {  	v2 =	vld [tilespmem:s31+$0x90];
	v11 =	vmax.f32 v12, v1;
	v14 =	vmin.f32 v12, v1;
	v15 =	vmax.f32 v12, v4  }
0x20: {  	v18 =	vld [tilespmem:s31+$0xC0];
	v16 =	vmin.f32 v12, v4;
	v23 =	vmin.f32 v12, v5;
	v26 =	vmax.f32 v12, v5  }
0x21: {  	v21 =	vld [tilespmem:s31+$0x80];
	v27 =	vmax.f32 v12, v6;
	v5 =	vmin.f32 v12, v6;
	v29 =	vmax.f32 v12, v10  }
0x22: {  	v25 =	vld [tilespmem:s31+$0xA0];
	v34 =	vmin.f32 v12, v7;
	v36 =	vmin.f32 v12, v10;
	v20 =	vmax.f32 v12, v7  }
0x23: {  	v13 =	vld [tilespmem:s31+$0xB0];
	v7 =	vmax.f32 v12, v33;
	v0 =	vmax.f32 v19, v9;
	v1 =	vmax.f32 v11, v3  }
0x24: {  	v35 =	vld [tilespmem:s31+$0xD0];
	v22 =	vmax.f32 v12, v16;
	v24 =	vmin.f32 v12, v14;
	v4 =	vmax.f32 v15, v2  }
0x25: {  	v32 =	vmax.f32 v12, v23;
	v17 =	vmax.f32 v12, v8;
	v37 =	vmin.f32 v12, v16  }
0x26: {  	v38 =	vmin.f32 v26, v18;
	v28 =	vmin.f32 v12, v8;
	v6 =	vmax.f32 v27, v21  }
0x27: {  	v39 =	vmin.f32 v12, v5;
	v15 =	vmin.f32 v15, v2;
	v30 =	vmax.f32 v12, v5  }
0x28: {  	v5 =	vmax.f32 v29, v25;
	v50 =	vmin.f32 v20, v13;
	v31 =	vmin.f32 v29, v25  }
0x29: {  	v8 =	vmin.f32 v12, v33;
	v33 =	vmin.f32 v27, v21;
	v2 =	vmax.f32 v7, v35  }
0x2a: {  	v7 =	vmin.f32 v7, v35;
	v25 =	vmax.f32 v12, v34;
	v27 =	vmax.f32 v12, v14  }
0x2b: {  	v29 =	vmin.f32 v11, v3;
	v11 =	vmin.f32 v12, v34;
	v45 =	vmax.f32 v12, v36  }
0x2c: {  	v63 =	vmin.f32 v12, v36;
	v40 =	vmax.f32 v12, v37;
	v16 =	vmin.f32 v32, v38  }
0x2d: {  	v41 =	vmax.f32 v12, v8;
	v8 =	vmin.f32 v12, v8;
	v10 =	vmax.f32 v25, v50  }
0x2e: {  	v35 =	vmin.f32 v30, v33;
	v49 =	vmin.f32 v12, v39;
	v36 =	vmin.f32 v45, v31  }
0x2f: {  	v47 =	vmax.f32 v12, v11;
	v46 =	vmax.f32 v12, v39;
	v39 =	vmax.f32 v12, v63  }
0x30: {  	v44 =	vmin.f32 v12, v63;
	v48 =	vmin.f32 v12, v11;
	v11 =	vmin.f32 v12, v24  }
0x31: {  	v21 =	vmax.f32 v12, v8;
	v8 =	vmin.f32 v12, v8;
	v14 =	vmax.f32 v41, v7  }
0x32: {  	v42 =	vmax.f32 v12, v8;
	v8 =	vmin.f32 v41, v7;
	v7 =	vmin.f32 v22, v15  }
0x33: {  	v41 =	vmin.f32 v46, v35;
	v43 =	vmin.f32 v21, v8;
	v8 =	vmax.f32 v21, v8  }
0x34: {  	v21 =	vmax.f32 v32, v38;
	v38 =	vmin.f32 v12, v23;
	v34 =	vmax.f32 v40, v7  }
0x35: {  	v7 =	vmin.f32 v40, v7;
	v23 =	vmin.f32 v12, v37;
	v40 =	vmin.f32 v25, v50  }
0x36: {  	v37 =	vmax.f32 v12, v11;
	v32 =	vimm.f32 $-1.000000020e+30;
	v25 =	vimm.f32 $-1.000000020e+30  }
0x37: {  	v3 =	vmax.f32 v42, v43;
	v43 =	vmin.f32 v12, v38;
	v42 =	vmax.f32 v22, v15  }
0x38: {  	v22 =	vmax.f32 v12, v23;
	v15 =	vmax.f32 v26, v18;
	v23 =	vmin.f32 v27, v29  }
0x39: {  	v18 =	vmax.f32 v47, v40;
	v7 =	vmax.f32 v22, v7;
	v22 =	vmax.f32 v12, v24  }
0x3a: {  	v26 =	vimm.f32 $-1.000000020e+30;
	v24 =	vimm.f32 $-1.000000020e+30;
	v11 =	vmax.f32 v22, v23  }
0x3b: {  	s15 =	simm.s32 $0x400;
	v50 =	vmin.f32 v22, v23;
	v23 =	vimm.f32 $-1.000000020e+30;
	v22 =	vimm.f32 $-1.000000020e+30  }
.LBB2_3:
0x3c: {  	s16 =	sshra.s32 s15, $0x2;
	p0 =	sne.s32 s15, $0x1FC00;
	s15 =	sadd.s32 $0x400, s15;
	v12 =	vmax.f32 v12, v49;
	v49 =	vmin.f32 v32, v28;
	v19 =	vmin.f32 v19, v9;
	v51 =	vmovc v10  }
0x3d: {  	v28 =	vmax.f32 v32, v28;
	v52 =	vld [tilespmem:s16+$0x80];
	v12 =	vmax.f32 v12, v41;
	v32 =	vmin.f32 v17, v19;
	v41 =	vmovc v21  }
0x3e: {  	v47 =	vmin.f32 v47, v40;
	v40 =	vmovc v34;
	v24 =	vmax.f32 v24, v49;
	v9 =	vld [tilespmem:s16+$0xF0];
	v49 =	vmin.f32 v28, v32  }
0x3f: {  	v25 =	vmax.f32 v25, v48;
	v37 =	vmax.f32 v37, v50;
	v53 =	vld [tilespmem:s16+$0x90];
	v24 =	vmax.f32 v24, v49  }
0x40: {  	v23 =	vmax.f32 v23, v44;
	v44 =	vmax.f32 v45, v31;
	v31 =	vmin.f32 v39, v36;
	v48 =	vld [tilespmem:s16+$0xE0]  }
0x41: {  	v26 =	vmax.f32 v26, v43;
	v25 =	vmax.f32 v25, v47;
	v43 =	vmax.f32 v17, v19;
	v45 =	vld [tilespmem:s16+$0x70]  }
0x42: {  	v50 =	vmax.f32 v39, v36;
	v23 =	vmax.f32 v23, v31;
	v19 =	vmax.f32 v22, v38;
	v17 =	vld [tilespmem:s16+$0x60]  }
0x43: {  	v20 =	vmax.f32 v20, v13;
	v27 =	vmax.f32 v27, v29;
	v32 =	vmax.f32 v28, v32;
	v31 =	vld [tilespmem:s16+$0x10]  }
0x44: {  	v29 =	vmax.f32 v30, v33;
	v22 =	vmax.f32 v19, v16;
	v16 =	vmin.f32 v19, v16;
	v13 =	vld [tilespmem:s16+$0x40]  }
0x45: {  	v38 =	vmax.f32 v46, v35;
	v26 =	vmax.f32 v26, v16;
	v28 =	vld [tilespmem:s16+$0x0]  }
0x46: {  	v30 =	vld [tilespmem:s16+$0x30];
	v19 =	vmax.f32 v0, v45;
	v16 =	vmin.f32 v0, v45  }
0x47: {  	v33 =	vld [tilespmem:s16+$0x20];
	v36 =	vmax.f32 v1, v17;
	v39 =	vmin.f32 v1, v17;
	v0 =	vmax.f32 v19, v9  }
0x48: {  	v35 =	vmax.f32 v4, v31;
	v31 =	vmin.f32 v4, v31;
	v54 =	vld [tilespmem:s16+$0xC0];
	v1 =	vmax.f32 v36, v48  }
0x49: {  	v57 =	vmin.f32 v27, v39;
	v55 =	vmax.f32 v42, v31;
	v45 =	vld [tilespmem:s16+$0xA0];
	v56 =	vmin.f32 v15, v13  }
0x4a: {  	v4 =	vmax.f32 v35, v53;
	v15 =	vmax.f32 v15, v13;
	v21 =	vmax.f32 v21, v56  }
0x4b: {  	v17 =	vmax.f32 v43, v16;
	v46 =	vmax.f32 v6, v28;
	v47 =	vmin.f32 v6, v28;
	v13 =	vld [tilespmem:s16+$0xB0]  }
0x4c: {  	v42 =	vmin.f32 v42, v31;
	v49 =	vmin.f32 v20, v30;
	v31 =	vmax.f32 v5, v33;
	v58 =	vld [tilespmem:s16+$0x50]  }
0x4d: {  	v59 =	vmax.f32 v34, v42;
	v28 =	vmin.f32 v43, v16;
	v34 =	vmin.f32 v15, v54;
	v60 =	vld [tilespmem:s16+$0xD0]  }
0x4e: {  	v6 =	vmax.f32 v46, v52;
	v43 =	vmin.f32 v5, v33;
	v16 =	vmin.f32 v21, v34  }
0x4f: {  	v53 =	vmin.f32 v35, v53;
	v61 =	vmin.f32 v29, v47;
	v20 =	vmax.f32 v20, v30  }
0x50: {  	v30 =	vmax.f32 v29, v47;
	v5 =	vmax.f32 v31, v45;
	v62 =	vmin.f32 v20, v13  }
0x51: {  	v31 =	vmin.f32 v31, v45;
	v29 =	vmax.f32 v2, v58;
	v35 =	vmin.f32 v2, v58  }
0x52: {  	v33 =	vmin.f32 v46, v52;
	v2 =	vmax.f32 v29, v60;
	v52 =	vmin.f32 v29, v60  }
0x53: {  	v58 =	vmax.f32 v10, v49;
	v60 =	vmax.f32 v14, v35;
	v14 =	vmin.f32 v14, v35  }
0x54: {  	v10 =	vmax.f32 v58, v62;
	v45 =	vmax.f32 v8, v14;
	v8 =	vmin.f32 v8, v14  }
0x55: {  	v35 =	vmin.f32 v30, v33;
	v3 =	vmax.f32 v3, v8;
	v8 =	vmin.f32 v60, v52  }
0x56: {  	v27 =	vmax.f32 v27, v39;
	v29 =	vmin.f32 v36, v48;
	v14 =	vmin.f32 v45, v8  }
0x57: {  	v48 =	vmin.f32 v51, v49;
	v8 =	vmax.f32 v45, v8;
	v3 =	vmax.f32 v3, v14  }
0x58: {  	v49 =	vmin.f32 v38, v61;
	v45 =	vmax.f32 v44, v43;
	v43 =	vmin.f32 v44, v43  }
0x59: {  	v21 =	vmax.f32 v21, v34;
	v47 =	vmax.f32 v18, v48;
	v36 =	vmin.f32 v45, v31  }
0x5a: {  	v46 =	vmax.f32 v38, v61;
	v39 =	vmax.f32 v50, v43;
	v14 =	vmax.f32 v60, v52  }
0x5b: {  	v51 =	vmin.f32 v55, v53;
	v38 =	vmin.f32 v41, v56;
	v44 =	vmin.f32 v50, v43  }
0x5c: {  	v34 =	vmax.f32 v59, v51;
	v50 =	vmin.f32 v59, v51;
	v43 =	vmin.f32 v22, v38  }
.Ltmp1:
0x5d: {  	v40 =	vmin.f32 v40, v42;
	v42 =	vmax.f32 v55, v53;
	v41 =	vmin.f32 v46, v35;
	(pc) =	sbr.rel @p0 .LBB2_3-.Ltmp1, $4  }
0x5e: {  	v7 =	vmax.f32 v7, v40;
	v15 =	vmax.f32 v15, v54;
	v48 =	vmin.f32 v18, v48  }
0x5f: {  	v7 =	vmax.f32 v7, v50;
	v50 =	vmax.f32 v11, v57;
	v11 =	vmin.f32 v11, v57  }
0x60: {  	v40 =	vmin.f32 v58, v62;
	v51 =	vmin.f32 v27, v29;
	v37 =	vmax.f32 v37, v11  }
0x61: {  	v18 =	vmax.f32 v47, v40;
	v11 =	vmax.f32 v50, v51;
	v50 =	vmin.f32 v50, v51  }
0x62: {  	v30 =	vmax.f32 v30, v33;
	v12 =	vmax.f32 v12, v49;
	v63 =	vmax.f32 v46, v35  }
0x63: {  	v49 =	vsub.f32 v42, v4;
	v51 =	vmin.f32 v32, v28;
	v34 =	vsub.f32 v34, v4  }
0x64: {  	v19 =	vmin.f32 v19, v9;
	v54 =	vmax.f32 v45, v31;
	v56 =	vsub.f32 v7, v4  }
0x65: {  	v57 =	vmax.f32 v32, v28;
	v59 =	vmax.f32 v39, v36;
	v61 =	vmin.f32 v47, v40  }
0x66: {  	v25 =	vmax.f32 v25, v48;
	v23 =	vmax.f32 v23, v44;
	v40 =	vmin.f32 v39, v36  }
0x67: {  	v26 =	vmax.f32 v26, v43;
	v22 =	vmax.f32 v22, v38;
	v13 =	vmax.f32 v20, v13  }
0x68: {  	v27 =	vmax.f32 v27, v29;
	v14 =	vsub.f32 v14, v2;
	v30 =	vsub.f32 v30, v6  }
0x69: {  	v8 =	vsub.f32 v8, v2;
	v12 =	vmax.f32 v12, v41;
	v33 =	vsub.f32 v63, v6  }
0x6a: {  	v58 =	vmin.f32 v17, v19;
	v46 =	vsub.f32 v12, v6;
	v30 =	vmul.f32 $1.442695020e+00, v30  }
0x6b: {  	v9 =	vsub.f32 v54, v5;
	v24 =	vmax.f32 v24, v51;
	v33 =	vmul.f32 $1.442695020e+00, v33  }
0x6c: {  	v25 =	vmax.f32 v25, v61;
	v52 =	vmul.f32 $1.442695020e+00, v46;
	(erf) = vpow2.f32 v30  }
0x6d: {  	v42 =	vmax.f32 v17, v19;
	v53 =	vmul.f32 $1.442695020e+00, v49;
	(erf) = vpow2.f32 v33  }
0x6e: {  	v19 =	vmax.f32 v23, v40;
	v10 =	vsub.f32 v10, v13;
	(erf) = vpow2.f32 v52  }
0x6f: {  	v18 =	vsub.f32 v18, v13;
	v55 =	vmul.f32 $1.442695020e+00, v34;
	(erf) = vpow2.f32 v53  }
0x70: {  	v60 =	vmul.f32 $1.442695020e+00, v56;
	v62 =	vmin.f32 v57, v58;
	v28 =	vmax.f32 v57, v58  }
0x71: {  	v48 =	vsub.f32 v19, v5;
	v33 =	vsub.f32 v59, v5;
	(erf) = vpow2.f32 v55  }
0x72: {  	v49 =	vmin.f32 v22, v16;
	v14 =	vmul.f32 $1.442695020e+00, v14;
	v9 =	vmul.f32 $1.442695020e+00, v9  }
0x73: {  	v54 =	vsub.f32 v25, v13;
	v63 =	vmul.f32 $1.442695020e+00, v33;
	(erf) = vpow2.f32 v60  }
0x74: {  	v57 =	vsub.f32 v21, v15;
	v52 =	vmul.f32 $1.442695020e+00, v48;
	(erf) = vpow2.f32 v9  }
0x75: {  	v10 =	vmul.f32 $1.442695020e+00, v10;
	v33 =	vmax.f32 v37, v50;
	(erf) = vpow2.f32 v63;
	v37 =	vpop (erf)  }
0x76: {  	v56 =	vmul.f32 $1.442695020e+00, v18;
	v46 =	vmax.f32 v22, v16;
	v41 =	vpop (erf);
	(erf) = vpow2.f32 v52  }
0x77: {  	v16 =	vmax.f32 v26, v49;
	v61 =	vmul.f32 $1.442695020e+00, v57;
	v59 =	vmul.f32 $1.442695020e+00, v54;
	v43 =	vpop (erf)  }
0x78: {  	v60 =	vsub.f32 v46, v15;
	v9 =	vmax.f32 v24, v62;
	(erf) = vpow2.f32 v10;
	v45 =	vpop (erf)  }
0x79: {  	v62 =	vsub.f32 v16, v15;
	(erf) = vpow2.f32 v56;
	v24 =	vadd.f32 $1.000000000e+00, v45  }
0x7a: {  	v26 =	vsub.f32 v3, v2;
	v63 =	vmul.f32 $1.442695020e+00, v60;
	v47 =	vpop (erf);
	(erf) = vpow2.f32 v59  }
0x7b: {  	(erf) = vpow2.f32 v61;
	v50 =	vadd.f32 v47, v24;
	v24 =	vmul.f32 $1.442695020e+00, v62  }
0x7c: {  	v29 =	vmul.f32 $1.442695020e+00, v8;
	v30 =	vsub.f32 v27, v1;
	v51 =	vpop (erf);
	(erf) = vpow2.f32 v63  }
0x7d: {  	[tilespmem:$0x8000] =	vst v6;
	v31 =	vmul.f32 $1.442695020e+00, v26;
	v53 =	vpop (erf);
	(erf) = vpow2.f32 v24  }
0x7e: {  	v11 =	vsub.f32 v11, v1;
	[tilespmem:$0x8010] =	vst v4;
	v34 =	vmul.f32 $1.442695020e+00, v30;
	v55 =	vpop (erf);
	(erf) = vpow2.f32 v14  }
0x7f: {  	[tilespmem:$0x8090] =	vst v7;
	v35 =	vsub.f32 v33, v1;
	v44 =	vadd.f32 $1.000000000e+00, v37;
	v32 =	vpop (erf);
	(erf) = vpow2.f32 v29  }
0x80: {  	[tilespmem:$0x8020] =	vst v5;
	v38 =	vsub.f32 v42, v0;
	v37 =	vmul.f32 $1.442695020e+00, v11;
	(erf) = vpow2.f32 v31  }
0x81: {  	[tilespmem:$0x8040] =	vst v15;
	v42 =	vsub.f32 v28, v0;
	v39 =	vmul.f32 $1.442695020e+00, v35;
	v36 =	vpop (erf);
	(erf) = vpow2.f32 v34  }
0x82: {  	[tilespmem:$0x8050] =	vst v2;
	v20 =	vadd.f32 v41, v44;
	v41 =	vmul.f32 $1.442695020e+00, v38;
	v40 =	vpop (erf);
	(erf) = vpow2.f32 v37  }
0x83: {  	[tilespmem:$0x80D0] =	vst v3;
	v44 =	vpop (erf);
	(erf) = vpow2.f32 v39  }
0x84: {  	[tilespmem:$0x8060] =	vst v1;
	v46 =	vmul.f32 $1.442695020e+00, v42;
	v47 =	vsub.f32 v9, v0;
	v45 =	vpop (erf);
	(erf) = vpow2.f32 v41  }
0x85: {  	[tilespmem:$0x8070] =	vst v0;
	v23 =	vadd.f32 $1.000000000e+00, v53;
	v48 =	vpop (erf)  }
0x86: {  	[tilespmem:$0x8030] =	vst v13;
	v22 =	vadd.f32 v51, v50;
	v50 =	vmul.f32 $1.442695020e+00, v47;
	(erf) = vpow2.f32 v46;
	v49 =	vpop (erf)  }
0x87: {  	[tilespmem:$0x8080] =	vst v12;
	v51 =	vpop (erf)  }
0x88: {  	[tilespmem:$0x80A0] =	vst v19;
	v58 =	vadd.f32 v55, v23;
	v4 =	vadd.f32 $1.000000000e+00, v36;
	v53 =	vpop (erf);
	(erf) = vpow2.f32 v50  }
0x89: {  	[tilespmem:$0x80B0] =	vst v25;
	v54 =	vpop (erf)  }
0x8a: {  	[tilespmem:$0x80C0] =	vst v16;
	v20 =	vadd.f32 v43, v20;
	v4 =	vadd.f32 v40, v4;
	v55 =	vpop (erf)  }
0x8b: {  	[tilespmem:$0x80E0] =	vst v33;
	v43 =	vadd.f32 v32, v58;
	v6 =	vadd.f32 $1.000000000e+00, v45;
	v56 =	vpop (erf)  }
0x8c: {  	[tilespmem:$0x80F0] =	vst v9;
	v4 =	vadd.f32 v44, v4;
	v52 =	vadd.f32 $1.000000000e+00, v51;
	v58 =	vpop (erf)  }
0x8d: {  	[tilespmem:$0x8100] =	vst v20;
	v6 =	vadd.f32 v48, v6;
	v57 =	vadd.f32 $1.000000000e+00, v55;
	v59 =	vpop (erf)  }
0x8e: {  	[tilespmem:$0x8130] =	vst v4;
	v4 =	vadd.f32 v53, v52;
	v2 =	vadd.f32 $1.000000000e+00, v59  }
0x8f: {  	[tilespmem:$0x8110] =	vst v22;
	v5 =	vadd.f32 v49, v6;
	v60 =	vadd.f32 v56, v57;
	v61 =	vpop (erf)  }
0x90: {  	[tilespmem:$0x8120] =	vst v43;
	v4 =	vadd.f32 v54, v4;
	v62 =	vadd.f32 v61, v2  }
0x91: {  	[tilespmem:$0x8140] =	vst v5;
	v3 =	vadd.f32 v58, v60;
	v63 =	vpop (erf)  }
0x92: {  	[tilespmem:$0x8150] =	vst v4;
	v1 =	vadd.f32 v63, v62  }
0x93: {  	[tilespmem:$0x8160] =	vst v3  }
0x94: {  	[tilespmem:$0x8170] =	vst v1  }
0x95: {  	[hbm4b:s3+s2] =	stream.linear.scatter [tilespmem:s11], [sflag:$0x1], $0x80, $0x38;
	[tilespmem:$0x8180] =	vst v63  }
0x96: {  	_ =	swait.ge [sflag:s10], $0x80  }
0x97: {  	[sflag:s10] =	ssyncset.done $0x0  }
0x98: {  	[sflag:s10] =	ssyncadd.s32 $0xFFFFFF80  }
0x99: {  	[hbm4b:s4+s2] =	stream.linear.scatter [tilespmem:s12], [sflag:$0x1], $0x80, $0x38;
	[tilespmem:$0x8180] =	vst v63  }
0x9a: {  	s14 =	sadd.s32 $0x1, s14;
	_ =	swait.ge [sflag:s10], $0x80  }
0x9b: {  	p0 =	sne.s32 s14, s7;
	[sflag:s10] =	ssyncset.done $0x0  }
.Ltmp2:
0x9c: {  	[sflag:s10] =	ssyncadd.s32 $0xFFFFFF80;
	(pc) =	sbr.rel @p0 .LBB2_2-.Ltmp2, $4  }
0x9d: {  	[hbm4b:s5+s2] =	stream.linear.scatter [tilespmem:s13], [sflag:$0x1], $0x80, $0x38;
	[tilespmem:$0x8180] =	vst v63  }
0x9e: {  	_ =	swait.ge [sflag:s10], $0x80  }
0x9f: {  	[sflag:s10] =	ssyncset.done $0x0  }
0xa0: {  	[sflag:s10] =	ssyncadd.s32 $0xFFFFFF80  }
.LBB2_5:
0xa1: {  	_ =	sfence.sel $0x180000  }
0xa2: {  	[bflag:$0x0] =	sbarrier.arrive $0xFFFF  }
0xa3: {  	p0 =	sne.s32 s1, $0x0;
	_ =	strace $0x90000047  }
0xa4: {  	s0 =	sadd.s32 @!p0 $0x100000, s0;
	[bflag:$0x2] =	sbarrier.arrive $0xFFFF  }
0xa5: {  	[sflag:s0] =	ssyncadd.tile.s32 @!p0 $0x1;
	_ =	shalt  }
.Lfunc_end2:
_tile_overlayer_lowered:
.L_overlay_start_2:
0xa6: {  	(tag) =	ssettag $0x2  }
0xa7: {  	s0 =	rddreg [dreg:$0x0];
	s2 =	stileid.u32  }
0xa8: {  	s1 =	rddreg [dreg:$0x1];
	p0 =	sne.s32 s2, $0x0  }
0xa9: {  	s3 =	rddreg [dreg:$0x2];
	[bflag:$0x3] =	sbarrier.arrive $0xFFFF;
	s2 =	simm.s32 @!p0 $0x1C01  }
0xaa: {  	[timem:s3], [sflag:s2] =	dma.local @!p0 [hbm:s0], s1  }
0xab: {  	s0 =	simm.s32 @!p0 $0x1  }
0xac: {  	_ =	swait.ge @!p0 [sflag:s0], s1  }
0xad: {  	s1 =	ssub.s32 @!p0 $0x0, s1;
	[sflag:s0] =	ssyncset.done @!p0 $0x0  }
0xae: {  	[sflag:s0] =	ssyncadd.s32 @!p0 s1  }
0xaf: {  	[bflag:$0x3] =	sbarrier.arrive $0xFFFF  }
0xb0: {  	_ =	shalt  }

</sc_bundles>
